<compile_context>
chip_gen: v7x
topology: tpu7x:2x2x1
jax: 0.10.2.dev20260603
libtpu: 0.0.44.dev20260713+nightly
codegen_flags: <defaults>
</compile_context>

<pallas_src>
import functools

import jax
import jax.numpy as jnp
from jax import lax
from jax.experimental import pallas as pl
from jax.experimental.pallas import tpu as pltpu
from jax.experimental.pallas import tpu_sc as plsc

NUM_INPUTS = 32
NUM_GROUPS = 1000000
BATCH = 16384
NC = 2
NS = 16
NW = NC * NS
BPW = BATCH // NW
GRP = 16
NGRP = BPW // GRP
LANE = 128


def _sc_body(xt_ref, ids_ref, wb_ref, tab_ref, out_ref,
             ids_v, xt_v, cols_v, out_v, wb_v, sem):
    wid = lax.axis_index("s") * NC + lax.axis_index("c")
    base = wid * BPW

    pltpu.sync_copy(ids_ref.at[pl.ds(base, BPW)], ids_v)
    pltpu.sync_copy(xt_ref.at[:, pl.ds(base, BPW)], xt_v)
    pltpu.sync_copy(wb_ref, wb_v)

    lanes = lax.iota(jnp.int32, GRP)

    def group(g, _):
        o = g * GRP
        idv = ids_v[pl.ds(o, GRP)]
        colv = idv // LANE
        loff = idv - colv * LANE

        copies = []
        for k in range(GRP):
            off = pl.multiple_of(colv[k] * LANE, LANE)
            copies.append(pltpu.async_copy(
                tab_ref.at[:, pl.ds(off, LANE)],
                cols_v.at[k],
                sem))
        for cp in copies:
            cp.wait()

        acc = jnp.zeros((GRP,), jnp.float32)
        for j in range(NUM_INPUTS):
            wv = plsc.load_gather(
                cols_v, [lanes, jnp.full((GRP,), j, jnp.int32), loff])
            xv = xt_v[j, pl.ds(o, GRP)]
            acc = acc + xv * (wv + wb_v[j, 0:GRP])
        out_v[pl.ds(o, GRP)] = acc
        return 0

    lax.fori_loop(0, NGRP, group, 0)

    pltpu.sync_copy(out_v, out_ref.at[pl.ds(base, BPW)])


@jax.jit
def _run(XT, ids, wb, tabT):
    mesh = plsc.VectorSubcoreMesh(core_axis_name="c", subcore_axis_name="s")
    f = functools.partial(
        pl.kernel,
        out_type=jax.ShapeDtypeStruct((BATCH,), jnp.float32),
        mesh=mesh,
        compiler_params=pltpu.CompilerParams(needs_layout_passes=False),
        scratch_types=[
            pltpu.VMEM((BPW,), jnp.int32),
            pltpu.VMEM((NUM_INPUTS, BPW), jnp.float32),
            pltpu.VMEM((GRP, NUM_INPUTS, LANE), jnp.float32),
            pltpu.VMEM((BPW,), jnp.float32),
            pltpu.VMEM((NUM_INPUTS, GRP), jnp.float32),
            pltpu.SemaphoreType.DMA,
        ],
    )(_sc_body)
    return f(XT, ids, wb, tabT)


def kernel(X, ids, W_weight, W_random):
    ids = ids.astype(jnp.int32)
    XT = jnp.transpose(X)
    tabT = jnp.transpose(W_random)
    wb = jnp.broadcast_to(W_weight.reshape(NUM_INPUTS, 1), (NUM_INPUTS, GRP))
    return _run(XT, ids, wb, tabT)

# --- scband reference (transcript-rebuilt; emitter-appended) ---
"""Pipeline reference for scband-mixed-effect-binomial-regression-60181081752315 (READ-ONLY COPY).

The authoritative reference and input builder live on the scoring server;
editing this copy changes nothing except your own understanding.
"""

import jax, jax.numpy as jnp
import numpy as np

NUM_INPUTS = 32
NUM_GROUPS = 1000000
BATCH = 16384


def setup_inputs(seed: int = 0) -> dict:
    key = jax.random.key(seed)
    k_x, k_ids, k_w, k_wr = jax.random.split(key, 4)
    X = jax.random.normal(k_x, (BATCH, NUM_INPUTS), dtype=jnp.float32)
    ids = jax.random.randint(k_ids, (BATCH,), 0, NUM_GROUPS, dtype=jnp.int64 if jax.config.jax_enable_x64 else jnp.int32)
    # nn.Linear(num_inputs, 1, bias=False) weight: [1, num_inputs]
    W_weight = jax.random.normal(k_w, (1, NUM_INPUTS), dtype=jnp.float32) * (1.0 / np.sqrt(NUM_INPUTS))
    # W_random parameter: 0.01 * randn(num_groups, num_inputs)
    W_random = 0.01 * jax.random.normal(k_wr, (NUM_GROUPS, NUM_INPUTS), dtype=jnp.float32)
    return {"X": X, "ids": ids, "W_weight": W_weight, "W_random": W_random}


def reference(X, ids, W_weight, W_random):
    # W_random[ids] -> embedding gather over group table
    Wr = jnp.take(W_random, ids, axis=0)  # [B, num_inputs]
    fixed = jnp.squeeze(X @ W_weight.T, axis=-1)  # [B]
    random_eff = jnp.sum(X * Wr, axis=-1)  # [B]
    return fixed + random_eff

if __name__ == "__main__":
    import jax
    _d = setup_inputs()
    print(jax.jit(kernel)(*tuple(_d.values())))

</pallas_src>

<mosaic_0001>
#map = affine_map<(d0, d1) -> (0, 0)>
#map1 = affine_map<(d0, d1) -> (0)>
module attributes {stable_mosaic.version = 14 : i64} {
  func.func @_sc_body(%arg0: i32, %arg1: i32, %arg2: memref<32x16384xf32, #tpu.memory_space<hbm>>, %arg3: memref<16384xi32, #tpu.memory_space<hbm>>, %arg4: memref<32x16xf32, #tpu.memory_space<hbm>>, %arg5: memref<32x1000000xf32, #tpu.memory_space<hbm>>, %arg6: memref<16384xf32, #tpu.memory_space<hbm>>, %arg7: memref<512xi32, #tpu.memory_space<vmem>>, %arg8: memref<32x512xf32, #tpu.memory_space<vmem>>, %arg9: memref<16x32x128xf32, #tpu.memory_space<vmem>>, %arg10: memref<512xf32, #tpu.memory_space<vmem>>, %arg11: memref<32x16xf32, #tpu.memory_space<vmem>>, %arg12: memref<!tpu.dma_semaphore, #tpu.memory_space<semaphore_mem>>) attributes {dimension_semantics = [#tpu.dimension_semantics<core_parallel>, #tpu.dimension_semantics<subcore_parallel>], iteration_bounds = array<i64: 2, 16>, scalar_prefetch = 0 : i64, scratch_operands = 6 : i64, tpu.core_type = #tpu.core_type<sc_vector_subcore>, window_params = [{transform_indices = #map}, {transform_indices = #map1}, {transform_indices = #map}, {transform_indices = #map}, {transform_indices = #map1}]} {
    %mul3A = arith.constant 2 : i32
    %mul3A_0 = arith.muli %arg1, %mul3A : i32
    %add3A = arith.addi %mul3A_0, %arg0 : i32
    %mul3A_1 = arith.constant 512 : i32
    %mul3A_2 = arith.muli %add3A, %mul3A_1 : i32
    "tpu.region"() ({
      %run_scoped3A = tpu.sem_alloc : memref<!tpu.dma_semaphore, #tpu.memory_space<semaphore_mem>>
      %dma_start3A = tpu.memref_slice %arg3[%mul3A_2] : memref<16384xi32, #tpu.memory_space<hbm>> -> memref<512xi32, #tpu.memory_space<hbm>>
      %dma_start3A_9 = tpu.memref_slice %arg3[%mul3A_2] : memref<16384xi32, #tpu.memory_space<hbm>> -> memref<512xi32, #tpu.memory_space<hbm>>
      tpu.enqueue_dma source(%dma_start3A_9 : memref<512xi32, #tpu.memory_space<hbm>>) target(%arg7 : memref<512xi32, #tpu.memory_space<vmem>>) target_semaphore(%run_scoped3A : memref<!tpu.dma_semaphore, #tpu.memory_space<semaphore_mem>>)
      %dma_wait3A = tpu.memref_slice %arg3[%mul3A_2] : memref<16384xi32, #tpu.memory_space<hbm>> -> memref<512xi32, #tpu.memory_space<hbm>>
      %dma_wait3A_10 = tpu.memref_slice %arg3[%mul3A_2] : memref<16384xi32, #tpu.memory_space<hbm>> -> memref<512xi32, #tpu.memory_space<hbm>>
      tpu.wait_dma2 semaphore(%run_scoped3A : memref<!tpu.dma_semaphore, #tpu.memory_space<semaphore_mem>>) src(%dma_wait3A_10 : memref<512xi32, #tpu.memory_space<hbm>>) dst(%arg7 : memref<512xi32, #tpu.memory_space<vmem>>)
      tpu.yield
    }) : () -> ()
    "tpu.region"() ({
      %run_scoped3A = tpu.sem_alloc : memref<!tpu.dma_semaphore, #tpu.memory_space<semaphore_mem>>
      %dma_start3A = arith.constant 0 : i32
      %dma_start3A_9 = tpu.memref_slice %arg2[%dma_start3A, %mul3A_2] : memref<32x16384xf32, #tpu.memory_space<hbm>> -> memref<32x512xf32, #tpu.memory_space<hbm>>
      %dma_start3A_10 = arith.constant 0 : i32
      %dma_start3A_11 = tpu.memref_slice %arg2[%dma_start3A_10, %mul3A_2] : memref<32x16384xf32, #tpu.memory_space<hbm>> -> memref<32x512xf32, #tpu.memory_space<hbm>>
      tpu.enqueue_dma source(%dma_start3A_11 : memref<32x512xf32, #tpu.memory_space<hbm>>) target(%arg8 : memref<32x512xf32, #tpu.memory_space<vmem>>) target_semaphore(%run_scoped3A : memref<!tpu.dma_semaphore, #tpu.memory_space<semaphore_mem>>)
      %dma_wait3A = arith.constant 0 : i32
      %dma_wait3A_12 = tpu.memref_slice %arg2[%dma_wait3A, %mul3A_2] : memref<32x16384xf32, #tpu.memory_space<hbm>> -> memref<32x512xf32, #tpu.memory_space<hbm>>
      %dma_wait3A_13 = arith.constant 0 : i32
      %dma_wait3A_14 = tpu.memref_slice %arg2[%dma_wait3A_13, %mul3A_2] : memref<32x16384xf32, #tpu.memory_space<hbm>> -> memref<32x512xf32, #tpu.memory_space<hbm>>
      tpu.wait_dma2 semaphore(%run_scoped3A : memref<!tpu.dma_semaphore, #tpu.memory_space<semaphore_mem>>) src(%dma_wait3A_14 : memref<32x512xf32, #tpu.memory_space<hbm>>) dst(%arg8 : memref<32x512xf32, #tpu.memory_space<vmem>>)
      tpu.yield
    }) : () -> ()
    "tpu.region"() ({
      %run_scoped3A = tpu.sem_alloc : memref<!tpu.dma_semaphore, #tpu.memory_space<semaphore_mem>>
      tpu.enqueue_dma source(%arg4 : memref<32x16xf32, #tpu.memory_space<hbm>>) target(%arg11 : memref<32x16xf32, #tpu.memory_space<vmem>>) target_semaphore(%run_scoped3A : memref<!tpu.dma_semaphore, #tpu.memory_space<semaphore_mem>>)
      tpu.wait_dma2 semaphore(%run_scoped3A : memref<!tpu.dma_semaphore, #tpu.memory_space<semaphore_mem>>) src(%arg4 : memref<32x16xf32, #tpu.memory_space<hbm>>) dst(%arg11 : memref<32x16xf32, #tpu.memory_space<vmem>>)
      tpu.yield
    }) : () -> ()
    %iota3A = tpu.iota {dimensions = array<i32: 0>} : vector<16xi32>
    %scan3A = arith.constant 0 : i32
    %scan3A_3 = arith.constant 0 : i32
    %scan3A_4 = arith.constant 32 : i32
    %scan3A_5 = arith.addi %scan3A_3, %scan3A_4 : i32
    %scan3A_6 = arith.constant 1 : i32
    %scan3A_7 = scf.for %scan3A_9 = %scan3A_3 to %scan3A_5 step %scan3A_6 iter_args(%scan3A_10 = %scan3A) -> (i32)  : i32 {
      %mul3A_11 = arith.constant 16 : i32
      %mul3A_12 = arith.muli %scan3A_9, %mul3A_11 : i32
      %get3A = arith.index_cast %mul3A_12 : i32 to index
      %get3A_13 = tpu.vector_load %arg7[%get3A] {strides = array<i32>} : memref<512xi32, #tpu.memory_space<vmem>>, vector<16xi32>,
      %jit3A = arith.constant 128 : i32
      %div3A = vector.broadcast %jit3A : i32 to vector<16xi32>
      %div3A_14 = arith.divsi %get3A_13, %div3A : vector<16xi32>
      %sign3A = arith.constant 0 : i32
      %sign3A_15 = vector.broadcast %sign3A : i32 to vector<16xi32>
      %sign3A_16 = arith.cmpi sgt, %get3A_13, %sign3A_15 : vector<16xi32>
      %sign3A_17 = arith.extui %sign3A_16 : vector<16xi1> to vector<16xi32>
      %sign3A_18 = arith.constant 0 : i32
      %sign3A_19 = vector.broadcast %sign3A_18 : i32 to vector<16xi32>
      %sign3A_20 = arith.cmpi slt, %get3A_13, %sign3A_19 : vector<16xi32>
      %sign3A_21 = arith.extui %sign3A_20 : vector<16xi1> to vector<16xi32>
      %sign3A_22 = arith.subi %sign3A_17, %sign3A_21 : vector<16xi32>
      %sign3A_23 = arith.constant 0 : i32
      %sign3A_24 = arith.cmpi sgt, %jit3A, %sign3A_23 : i32
      %sign3A_25 = arith.extui %sign3A_24 : i1 to i32
      %sign3A_26 = arith.constant 0 : i32
      %sign3A_27 = arith.cmpi slt, %jit3A, %sign3A_26 : i32
      %sign3A_28 = arith.extui %sign3A_27 : i1 to i32
      %sign3A_29 = arith.subi %sign3A_25, %sign3A_28 : i32
      %ne3A = vector.broadcast %sign3A_29 : i32 to vector<16xi32>
      %ne3A_30 = arith.cmpi ne, %sign3A_22, %ne3A : vector<16xi32>
      %rem3A = vector.broadcast %jit3A : i32 to vector<16xi32>
      %rem3A_31 = arith.remsi %get3A_13, %rem3A : vector<16xi32>
      %ne3A_32 = arith.constant 0 : i32
      %ne3A_33 = vector.broadcast %ne3A_32 : i32 to vector<16xi32>
      %ne3A_34 = arith.cmpi ne, %rem3A_31, %ne3A_33 : vector<16xi32>
      %and3A = arith.andi %ne3A_30, %ne3A_34 : vector<16xi1>
      %sub3A = arith.constant 1 : i32
      %sub3A_35 = vector.broadcast %sub3A : i32 to vector<16xi32>
      %sub3A_36 = arith.subi %div3A_14, %sub3A_35 : vector<16xi32>
      %select_n3A = arith.select %and3A, %sub3A_36, %div3A_14 : vector<16xi1>, vector<16xi32>
      %mul3A_37 = arith.constant 128 : i32
      %mul3A_38 = vector.broadcast %mul3A_37 : i32 to vector<16xi32>
      %mul3A_39 = arith.muli %select_n3A, %mul3A_38 : vector<16xi32>
      %sub3A_40 = arith.subi %get3A_13, %mul3A_39 : vector<16xi32>
      %slice3A = vector.extract_strided_slice %select_n3A {offsets = [0], sizes = [1], strides = [1]} : vector<16xi32> to vector<1xi32>
      %squeeze3A = vector.extract %slice3A[0] : i32 from vector<1xi32>
      %mul3A_41 = arith.constant 128 : i32
      %mul3A_42 = arith.muli %squeeze3A, %mul3A_41 : i32
      %multiple_of3A = tpu.assume_multiple %mul3A_42, 128 : i32
      %dma_start3A = arith.constant 0 : i32
      %dma_start3A_43 = arith.constant 0 : i32
      %dma_start3A_44 = arith.constant 0 : i32
      %dma_start3A_45 = tpu.memref_slice %arg9[%dma_start3A, %dma_start3A_43, %dma_start3A_44] : memref<16x32x128xf32, #tpu.memory_space<vmem>> -> memref<1x32x128xf32, #tpu.memory_space<vmem>>
      %dma_start3A_46 = tpu.memref_squeeze %dma_start3A_45 : memref<1x32x128xf32, #tpu.memory_space<vmem>> -> memref<32x128xf32, #tpu.memory_space<vmem>>
      %dma_start3A_47 = arith.constant 0 : i32
      %dma_start3A_48 = tpu.memref_slice %arg5[%dma_start3A_47, %multiple_of3A] : memref<32x1000000xf32, #tpu.memory_space<hbm>> -> memref<32x128xf32, #tpu.memory_space<hbm>>
      %dma_start3A_49 = arith.constant 0 : i32
      %dma_start3A_50 = arith.constant 0 : i32
      %dma_start3A_51 = tpu.memref_slice %arg9[%dma_start3A, %dma_start3A_49, %dma_start3A_50] : memref<16x32x128xf32, #tpu.memory_space<vmem>> -> memref<1x32x128xf32, #tpu.memory_space<vmem>>
      %dma_start3A_52 = tpu.memref_squeeze %dma_start3A_51 : memref<1x32x128xf32, #tpu.memory_space<vmem>> -> memref<32x128xf32, #tpu.memory_space<vmem>>
      %dma_start3A_53 = arith.constant 0 : i32
      %dma_start3A_54 = tpu.memref_slice %arg5[%dma_start3A_53, %multiple_of3A] : memref<32x1000000xf32, #tpu.memory_space<hbm>> -> memref<32x128xf32, #tpu.memory_space<hbm>>
      tpu.enqueue_dma source(%dma_start3A_54 : memref<32x128xf32, #tpu.memory_space<hbm>>) target(%dma_start3A_52 : memref<32x128xf32, #tpu.memory_space<vmem>>) target_semaphore(%arg12 : memref<!tpu.dma_semaphore, #tpu.memory_space<semaphore_mem>>)
      %slice3A_55 = vector.extract_strided_slice %select_n3A {offsets = [1], sizes = [1], strides = [1]} : vector<16xi32> to vector<1xi32>
      %squeeze3A_56 = vector.extract %slice3A_55[0] : i32 from vector<1xi32>
      %mul3A_57 = arith.constant 128 : i32
      %mul3A_58 = arith.muli %squeeze3A_56, %mul3A_57 : i32
      %multiple_of3A_59 = tpu.assume_multiple %mul3A_58, 128 : i32
      %dma_start3A_60 = arith.constant 1 : i32
      %dma_start3A_61 = arith.constant 0 : i32
      %dma_start3A_62 = arith.constant 0 : i32
      %dma_start3A_63 = tpu.memref_slice %arg9[%dma_start3A_60, %dma_start3A_61, %dma_start3A_62] : memref<16x32x128xf32, #tpu.memory_space<vmem>> -> memref<1x32x128xf32, #tpu.memory_space<vmem>>
      %dma_start3A_64 = tpu.memref_squeeze %dma_start3A_63 : memref<1x32x128xf32, #tpu.memory_space<vmem>> -> memref<32x128xf32, #tpu.memory_space<vmem>>
      %dma_start3A_65 = arith.constant 0 : i32
      %dma_start3A_66 = tpu.memref_slice %arg5[%dma_start3A_65, %multiple_of3A_59] : memref<32x1000000xf32, #tpu.memory_space<hbm>> -> memref<32x128xf32, #tpu.memory_space<hbm>>
      %dma_start3A_67 = arith.constant 0 : i32
      %dma_start3A_68 = arith.constant 0 : i32
      %dma_start3A_69 = tpu.memref_slice %arg9[%dma_start3A_60, %dma_start3A_67, %dma_start3A_68] : memref<16x32x128xf32, #tpu.memory_space<vmem>> -> memref<1x32x128xf32, #tpu.memory_space<vmem>>
      %dma_start3A_70 = tpu.memref_squeeze %dma_start3A_69 : memref<1x32x128xf32, #tpu.memory_space<vmem>> -> memref<32x128xf32, #tpu.memory_space<vmem>>
      %dma_start3A_71 = arith.constant 0 : i32
      %dma_start3A_72 = tpu.memref_slice %arg5[%dma_start3A_71, %multiple_of3A_59] : memref<32x1000000xf32, #tpu.memory_space<hbm>> -> memref<32x128xf32, #tpu.memory_space<hbm>>
      tpu.enqueue_dma source(%dma_start3A_72 : memref<32x128xf32, #tpu.memory_space<hbm>>) target(%dma_start3A_70 : memref<32x128xf32, #tpu.memory_space<vmem>>) target_semaphore(%arg12 : memref<!tpu.dma_semaphore, #tpu.memory_space<semaphore_mem>>)
      %slice3A_73 = vector.extract_strided_slice %select_n3A {offsets = [2], sizes = [1], strides = [1]} : vector<16xi32> to vector<1xi32>
      %squeeze3A_74 = vector.extract %slice3A_73[0] : i32 from vector<1xi32>
      %mul3A_75 = arith.constant 128 : i32
      %mul3A_76 = arith.muli %squeeze3A_74, %mul3A_75 : i32
      %multiple_of3A_77 = tpu.assume_multiple %mul3A_76, 128 : i32
      %dma_start3A_78 = arith.constant 2 : i32
      %dma_start3A_79 = arith.constant 0 : i32
      %dma_start3A_80 = arith.constant 0 : i32
      %dma_start3A_81 = tpu.memref_slice %arg9[%dma_start3A_78, %dma_start3A_79, %dma_start3A_80] : memref<16x32x128xf32, #tpu.memory_space<vmem>> -> memref<1x32x128xf32, #tpu.memory_space<vmem>>
      %dma_start3A_82 = tpu.memref_squeeze %dma_start3A_81 : memref<1x32x128xf32, #tpu.memory_space<vmem>> -> memref<32x128xf32, #tpu.memory_space<vmem>>
      %dma_start3A_83 = arith.constant 0 : i32
      %dma_start3A_84 = tpu.memref_slice %arg5[%dma_start3A_83, %multiple_of3A_77] : memref<32x1000000xf32, #tpu.memory_space<hbm>> -> memref<32x128xf32, #tpu.memory_space<hbm>>
      %dma_start3A_85 = arith.constant 0 : i32
      %dma_start3A_86 = arith.constant 0 : i32
      %dma_start3A_87 = tpu.memref_slice %arg9[%dma_start3A_78, %dma_start3A_85, %dma_start3A_86] : memref<16x32x128xf32, #tpu.memory_space<vmem>> -> memref<1x32x128xf32, #tpu.memory_space<vmem>>
      %dma_start3A_88 = tpu.memref_squeeze %dma_start3A_87 : memref<1x32x128xf32, #tpu.memory_space<vmem>> -> memref<32x128xf32, #tpu.memory_space<vmem>>
      %dma_start3A_89 = arith.constant 0 : i32
      %dma_start3A_90 = tpu.memref_slice %arg5[%dma_start3A_89, %multiple_of3A_77] : memref<32x1000000xf32, #tpu.memory_space<hbm>> -> memref<32x128xf32, #tpu.memory_space<hbm>>
      tpu.enqueue_dma source(%dma_start3A_90 : memref<32x128xf32, #tpu.memory_space<hbm>>) target(%dma_start3A_88 : memref<32x128xf32, #tpu.memory_space<vmem>>) target_semaphore(%arg12 : memref<!tpu.dma_semaphore, #tpu.memory_space<semaphore_mem>>)
      %slice3A_91 = vector.extract_strided_slice %select_n3A {offsets = [3], sizes = [1], strides = [1]} : vector<16xi32> to vector<1xi32>
      %squeeze3A_92 = vector.extract %slice3A_91[0] : i32 from vector<1xi32>
      %mul3A_93 = arith.constant 128 : i32
      %mul3A_94 = arith.muli %squeeze3A_92, %mul3A_93 : i32
      %multiple_of3A_95 = tpu.assume_multiple %mul3A_94, 128 : i32
      %dma_start3A_96 = arith.constant 3 : i32
      %dma_start3A_97 = arith.constant 0 : i32
      %dma_start3A_98 = arith.constant 0 : i32
      %dma_start3A_99 = tpu.memref_slice %arg9[%dma_start3A_96, %dma_start3A_97, %dma_start3A_98] : memref<16x32x128xf32, #tpu.memory_space<vmem>> -> memref<1x32x128xf32, #tpu.memory_space<vmem>>
      %dma_start3A_100 = tpu.memref_squeeze %dma_start3A_99 : memref<1x32x128xf32, #tpu.memory_space<vmem>> -> memref<32x128xf32, #tpu.memory_space<vmem>>
      %dma_start3A_101 = arith.constant 0 : i32
      %dma_start3A_102 = tpu.memref_slice %arg5[%dma_start3A_101, %multiple_of3A_95] : memref<32x1000000xf32, #tpu.memory_space<hbm>> -> memref<32x128xf32, #tpu.memory_space<hbm>>
      %dma_start3A_103 = arith.constant 0 : i32
      %dma_start3A_104 = arith.constant 0 : i32
      %dma_start3A_105 = tpu.memref_slice %arg9[%dma_start3A_96, %dma_start3A_103, %dma_start3A_104] : memref<16x32x128xf32, #tpu.memory_space<vmem>> -> memref<1x32x128xf32, #tpu.memory_space<vmem>>
      %dma_start3A_106 = tpu.memref_squeeze %dma_start3A_105 : memref<1x32x128xf32, #tpu.memory_space<vmem>> -> memref<32x128xf32, #tpu.memory_space<vmem>>
      %dma_start3A_107 = arith.constant 0 : i32
      %dma_start3A_108 = tpu.memref_slice %arg5[%dma_start3A_107, %multiple_of3A_95] : memref<32x1000000xf32, #tpu.memory_space<hbm>> -> memref<32x128xf32, #tpu.memory_space<hbm>>
      tpu.enqueue_dma source(%dma_start3A_108 : memref<32x128xf32, #tpu.memory_space<hbm>>) target(%dma_start3A_106 : memref<32x128xf32, #tpu.memory_space<vmem>>) target_semaphore(%arg12 : memref<!tpu.dma_semaphore, #tpu.memory_space<semaphore_mem>>)
      %slice3A_109 = vector.extract_strided_slice %select_n3A {offsets = [4], sizes = [1], strides = [1]} : vector<16xi32> to vector<1xi32>
      %squeeze3A_110 = vector.extract %slice3A_109[0] : i32 from vector<1xi32>
      %mul3A_111 = arith.constant 128 : i32
      %mul3A_112 = arith.muli %squeeze3A_110, %mul3A_111 : i32
      %multiple_of3A_113 = tpu.assume_multiple %mul3A_112, 128 : i32
      %dma_start3A_114 = arith.constant 4 : i32
      %dma_start3A_115 = arith.constant 0 : i32
      %dma_start3A_116 = arith.constant 0 : i32
      %dma_start3A_117 = tpu.memref_slice %arg9[%dma_start3A_114, %dma_start3A_115, %dma_start3A_116] : memref<16x32x128xf32, #tpu.memory_space<vmem>> -> memref<1x32x128xf32, #tpu.memory_space<vmem>>
      %dma_start3A_118 = tpu.memref_squeeze %dma_start3A_117 : memref<1x32x128xf32, #tpu.memory_space<vmem>> -> memref<32x128xf32, #tpu.memory_space<vmem>>
      %dma_start3A_119 = arith.constant 0 : i32
      %dma_start3A_120 = tpu.memref_slice %arg5[%dma_start3A_119, %multiple_of3A_113] : memref<32x1000000xf32, #tpu.memory_space<hbm>> -> memref<32x128xf32, #tpu.memory_space<hbm>>
      %dma_start3A_121 = arith.constant 0 : i32
      %dma_start3A_122 = arith.constant 0 : i32
      %dma_start3A_123 = tpu.memref_slice %arg9[%dma_start3A_114, %dma_start3A_121, %dma_start3A_122] : memref<16x32x128xf32, #tpu.memory_space<vmem>> -> memref<1x32x128xf32, #tpu.memory_space<vmem>>
      %dma_start3A_124 = tpu.memref_squeeze %dma_start3A_123 : memref<1x32x128xf32, #tpu.memory_space<vmem>> -> memref<32x128xf32, #tpu.memory_space<vmem>>
      %dma_start3A_125 = arith.constant 0 : i32
      %dma_start3A_126 = tpu.memref_slice %arg5[%dma_start3A_125, %multiple_of3A_113] : memref<32x1000000xf32, #tpu.memory_space<hbm>> -> memref<32x128xf32, #tpu.memory_space<hbm>>
      tpu.enqueue_dma source(%dma_start3A_126 : memref<32x128xf32, #tpu.memory_space<hbm>>) target(%dma_start3A_124 : memref<32x128xf32, #tpu.memory_space<vmem>>) target_semaphore(%arg12 : memref<!tpu.dma_semaphore, #tpu.memory_space<semaphore_mem>>)
      %slice3A_127 = vector.extract_strided_slice %select_n3A {offsets = [5], sizes = [1], strides = [1]} : vector<16xi32> to vector<1xi32>
      %squeeze3A_128 = vector.extract %slice3A_127[0] : i32 from vector<1xi32>
      %mul3A_129 = arith.constant 128 : i32
      %mul3A_130 = arith.muli %squeeze3A_128, %mul3A_129 : i32
      %multiple_of3A_131 = tpu.assume_multiple %mul3A_130, 128 : i32
      %dma_start3A_132 = arith.constant 5 : i32
      %dma_start3A_133 = arith.constant 0 : i32
      %dma_start3A_134 = arith.constant 0 : i32
      %dma_start3A_135 = tpu.memref_slice %arg9[%dma_start3A_132, %dma_start3A_133, %dma_start3A_134] : memref<16x32x128xf32, #tpu.memory_space<vmem>> -> memref<1x32x128xf32, #tpu.memory_space<vmem>>
      %dma_start3A_136 = tpu.memref_squeeze %dma_start3A_135 : memref<1x32x128xf32, #tpu.memory_space<vmem>> -> memref<32x128xf32, #tpu.memory_space<vmem>>
      %dma_start3A_137 = arith.constant 0 : i32
      %dma_start3A_138 = tpu.memref_slice %arg5[%dma_start3A_137, %multiple_of3A_131] : memref<32x1000000xf32, #tpu.memory_space<hbm>> -> memref<32x128xf32, #tpu.memory_space<hbm>>
      %dma_start3A_139 = arith.constant 0 : i32
      %dma_start3A_140 = arith.constant 0 : i32
      %dma_start3A_141 = tpu.memref_slice %arg9[%dma_start3A_132, %dma_start3A_139, %dma_start3A_140] : memref<16x32x128xf32, #tpu.memory_space<vmem>> -> memref<1x32x128xf32, #tpu.memory_space<vmem>>
      %dma_start3A_142 = tpu.memref_squeeze %dma_start3A_141 : memref<1x32x128xf32, #tpu.memory_space<vmem>> -> memref<32x128xf32, #tpu.memory_space<vmem>>
      %dma_start3A_143 = arith.constant 0 : i32
      %dma_start3A_144 = tpu.memref_slice %arg5[%dma_start3A_143, %multiple_of3A_131] : memref<32x1000000xf32, #tpu.memory_space<hbm>> -> memref<32x128xf32, #tpu.memory_space<hbm>>
      tpu.enqueue_dma source(%dma_start3A_144 : memref<32x128xf32, #tpu.memory_space<hbm>>) target(%dma_start3A_142 : memref<32x128xf32, #tpu.memory_space<vmem>>) target_semaphore(%arg12 : memref<!tpu.dma_semaphore, #tpu.memory_space<semaphore_mem>>)
      %slice3A_145 = vector.extract_strided_slice %select_n3A {offsets = [6], sizes = [1], strides = [1]} : vector<16xi32> to vector<1xi32>
      %squeeze3A_146 = vector.extract %slice3A_145[0] : i32 from vector<1xi32>
      %mul3A_147 = arith.constant 128 : i32
      %mul3A_148 = arith.muli %squeeze3A_146, %mul3A_147 : i32
      %multiple_of3A_149 = tpu.assume_multiple %mul3A_148, 128 : i32
      %dma_start3A_150 = arith.constant 6 : i32
      %dma_start3A_151 = arith.constant 0 : i32
      %dma_start3A_152 = arith.constant 0 : i32
      %dma_start3A_153 = tpu.memref_slice %arg9[%dma_start3A_150, %dma_start3A_151, %dma_start3A_152] : memref<16x32x128xf32, #tpu.memory_space<vmem>> -> memref<1x32x128xf32, #tpu.memory_space<vmem>>
      %dma_start3A_154 = tpu.memref_squeeze %dma_start3A_153 : memref<1x32x128xf32, #tpu.memory_space<vmem>> -> memref<32x128xf32, #tpu.memory_space<vmem>>
      %dma_start3A_155 = arith.constant 0 : i32
      %dma_start3A_156 = tpu.memref_slice %arg5[%dma_start3A_155, %multiple_of3A_149] : memref<32x1000000xf32, #tpu.memory_space<hbm>> -> memref<32x128xf32, #tpu.memory_space<hbm>>
      %dma_start3A_157 = arith.constant 0 : i32
      %dma_start3A_158 = arith.constant 0 : i32
      %dma_start3A_159 = tpu.memref_slice %arg9[%dma_start3A_150, %dma_start3A_157, %dma_start3A_158] : memref<16x32x128xf32, #tpu.memory_space<vmem>> -> memref<1x32x128xf32, #tpu.memory_space<vmem>>
      %dma_start3A_160 = tpu.memref_squeeze %dma_start3A_159 : memref<1x32x128xf32, #tpu.memory_space<vmem>> -> memref<32x128xf32, #tpu.memory_space<vmem>>
      %dma_start3A_161 = arith.constant 0 : i32
      %dma_start3A_162 = tpu.memref_slice %arg5[%dma_start3A_161, %multiple_of3A_149] : memref<32x1000000xf32, #tpu.memory_space<hbm>> -> memref<32x128xf32, #tpu.memory_space<hbm>>
      tpu.enqueue_dma source(%dma_start3A_162 : memref<32x128xf32, #tpu.memory_space<hbm>>) target(%dma_start3A_160 : memref<32x128xf32, #tpu.memory_space<vmem>>) target_semaphore(%arg12 : memref<!tpu.dma_semaphore, #tpu.memory_space<semaphore_mem>>)
      %slice3A_163 = vector.extract_strided_slice %select_n3A {offsets = [7], sizes = [1], strides = [1]} : vector<16xi32> to vector<1xi32>
      %squeeze3A_164 = vector.extract %slice3A_163[0] : i32 from vector<1xi32>
      %mul3A_165 = arith.constant 128 : i32
      %mul3A_166 = arith.muli %squeeze3A_164, %mul3A_165 : i32
      %multiple_of3A_167 = tpu.assume_multiple %mul3A_166, 128 : i32
      %dma_start3A_168 = arith.constant 7 : i32
      %dma_start3A_169 = arith.constant 0 : i32
      %dma_start3A_170 = arith.constant 0 : i32
      %dma_start3A_171 = tpu.memref_slice %arg9[%dma_start3A_168, %dma_start3A_169, %dma_start3A_170] : memref<16x32x128xf32, #tpu.memory_space<vmem>> -> memref<1x32x128xf32, #tpu.memory_space<vmem>>
      %dma_start3A_172 = tpu.memref_squeeze %dma_start3A_171 : memref<1x32x128xf32, #tpu.memory_space<vmem>> -> memref<32x128xf32, #tpu.memory_space<vmem>>
      %dma_start3A_173 = arith.constant 0 : i32
      %dma_start3A_174 = tpu.memref_slice %arg5[%dma_start3A_173, %multiple_of3A_167] : memref<32x1000000xf32, #tpu.memory_space<hbm>> -> memref<32x128xf32, #tpu.memory_space<hbm>>
      %dma_start3A_175 = arith.constant 0 : i32
      %dma_start3A_176 = arith.constant 0 : i32
      %dma_start3A_177 = tpu.memref_slice %arg9[%dma_start3A_168, %dma_start3A_175, %dma_start3A_176] : memref<16x32x128xf32, #tpu.memory_space<vmem>> -> memref<1x32x128xf32, #tpu.memory_space<vmem>>
      %dma_start3A_178 = tpu.memref_squeeze %dma_start3A_177 : memref<1x32x128xf32, #tpu.memory_space<vmem>> -> memref<32x128xf32, #tpu.memory_space<vmem>>
      %dma_start3A_179 = arith.constant 0 : i32
      %dma_start3A_180 = tpu.memref_slice %arg5[%dma_start3A_179, %multiple_of3A_167] : memref<32x1000000xf32, #tpu.memory_space<hbm>> -> memref<32x128xf32, #tpu.memory_space<hbm>>
      tpu.enqueue_dma source(%dma_start3A_180 : memref<32x128xf32, #tpu.memory_space<hbm>>) target(%dma_start3A_178 : memref<32x128xf32, #tpu.memory_space<vmem>>) target_semaphore(%arg12 : memref<!tpu.dma_semaphore, #tpu.memory_space<semaphore_mem>>)
      %slice3A_181 = vector.extract_strided_slice %select_n3A {offsets = [8], sizes = [1], strides = [1]} : vector<16xi32> to vector<1xi32>
      %squeeze3A_182 = vector.extract %slice3A_181[0] : i32 from vector<1xi32>
      %mul3A_183 = arith.constant 128 : i32
      %mul3A_184 = arith.muli %squeeze3A_182, %mul3A_183 : i32
      %multiple_of3A_185 = tpu.assume_multiple %mul3A_184, 128 : i32
      %dma_start3A_186 = arith.constant 8 : i32
      %dma_start3A_187 = arith.constant 0 : i32
      %dma_start3A_188 = arith.constant 0 : i32
      %dma_start3A_189 = tpu.memref_slice %arg9[%dma_start3A_186, %dma_start3A_187, %dma_start3A_188] : memref<16x32x128xf32, #tpu.memory_space<vmem>> -> memref<1x32x128xf32, #tpu.memory_space<vmem>>
      %dma_start3A_190 = tpu.memref_squeeze %dma_start3A_189 : memref<1x32x128xf32, #tpu.memory_space<vmem>> -> memref<32x128xf32, #tpu.memory_space<vmem>>
      %dma_start3A_191 = arith.constant 0 : i32
      %dma_start3A_192 = tpu.memref_slice %arg5[%dma_start3A_191, %multiple_of3A_185] : memref<32x1000000xf32, #tpu.memory_space<hbm>> -> memref<32x128xf32, #tpu.memory_space<hbm>>
      %dma_start3A_193 = arith.constant 0 : i32
      %dma_start3A_194 = arith.constant 0 : i32
      %dma_start3A_195 = tpu.memref_slice %arg9[%dma_start3A_186, %dma_start3A_193, %dma_start3A_194] : memref<16x32x128xf32, #tpu.memory_space<vmem>> -> memref<1x32x128xf32, #tpu.memory_space<vmem>>
      %dma_start3A_196 = tpu.memref_squeeze %dma_start3A_195 : memref<1x32x128xf32, #tpu.memory_space<vmem>> -> memref<32x128xf32, #tpu.memory_space<vmem>>
      %dma_start3A_197 = arith.constant 0 : i32
      %dma_start3A_198 = tpu.memref_slice %arg5[%dma_start3A_197, %multiple_of3A_185] : memref<32x1000000xf32, #tpu.memory_space<hbm>> -> memref<32x128xf32, #tpu.memory_space<hbm>>
      tpu.enqueue_dma source(%dma_start3A_198 : memref<32x128xf32, #tpu.memory_space<hbm>>) target(%dma_start3A_196 : memref<32x128xf32, #tpu.memory_space<vmem>>) target_semaphore(%arg12 : memref<!tpu.dma_semaphore, #tpu.memory_space<semaphore_mem>>)
      %slice3A_199 = vector.extract_strided_slice %select_n3A {offsets = [9], sizes = [1], strides = [1]} : vector<16xi32> to vector<1xi32>
      %squeeze3A_200 = vector.extract %slice3A_199[0] : i32 from vector<1xi32>
      %mul3A_201 = arith.constant 128 : i32
      %mul3A_202 = arith.muli %squeeze3A_200, %mul3A_201 : i32
      %multiple_of3A_203 = tpu.assume_multiple %mul3A_202, 128 : i32
      %dma_start3A_204 = arith.constant 9 : i32
      %dma_start3A_205 = arith.constant 0 : i32
      %dma_start3A_206 = arith.constant 0 : i32
      %dma_start3A_207 = tpu.memref_slice %arg9[%dma_start3A_204, %dma_start3A_205, %dma_start3A_206] : memref<16x32x128xf32, #tpu.memory_space<vmem>> -> memref<1x32x128xf32, #tpu.memory_space<vmem>>
      %dma_start3A_208 = tpu.memref_squeeze %dma_start3A_207 : memref<1x32x128xf32, #tpu.memory_space<vmem>> -> memref<32x128xf32, #tpu.memory_space<vmem>>
      %dma_start3A_209 = arith.constant 0 : i32
      %dma_start3A_210 = tpu.memref_slice %arg5[%dma_start3A_209, %multiple_of3A_203] : memref<32x1000000xf32, #tpu.memory_space<hbm>> -> memref<32x128xf32, #tpu.memory_space<hbm>>
      %dma_start3A_211 = arith.constant 0 : i32
      %dma_start3A_212 = arith.constant 0 : i32
      %dma_start3A_213 = tpu.memref_slice %arg9[%dma_start3A_204, %dma_start3A_211, %dma_start3A_212] : memref<16x32x128xf32, #tpu.memory_space<vmem>> -> memref<1x32x128xf32, #tpu.memory_space<vmem>>
      %dma_start3A_214 = tpu.memref_squeeze %dma_start3A_213 : memref<1x32x128xf32, #tpu.memory_space<vmem>> -> memref<32x128xf32, #tpu.memory_space<vmem>>
      %dma_start3A_215 = arith.constant 0 : i32
      %dma_start3A_216 = tpu.memref_slice %arg5[%dma_start3A_215, %multiple_of3A_203] : memref<32x1000000xf32, #tpu.memory_space<hbm>> -> memref<32x128xf32, #tpu.memory_space<hbm>>
      tpu.enqueue_dma source(%dma_start3A_216 : memref<32x128xf32, #tpu.memory_space<hbm>>) target(%dma_start3A_214 : memref<32x128xf32, #tpu.memory_space<vmem>>) target_semaphore(%arg12 : memref<!tpu.dma_semaphore, #tpu.memory_space<semaphore_mem>>)
      %slice3A_217 = vector.extract_strided_slice %select_n3A {offsets = [10], sizes = [1], strides = [1]} : vector<16xi32> to vector<1xi32>
      %squeeze3A_218 = vector.extract %slice3A_217[0] : i32 from vector<1xi32>
      %mul3A_219 = arith.constant 128 : i32
      %mul3A_220 = arith.muli %squeeze3A_218, %mul3A_219 : i32
      %multiple_of3A_221 = tpu.assume_multiple %mul3A_220, 128 : i32
      %dma_start3A_222 = arith.constant 10 : i32
      %dma_start3A_223 = arith.constant 0 : i32
      %dma_start3A_224 = arith.constant 0 : i32
      %dma_start3A_225 = tpu.memref_slice %arg9[%dma_start3A_222, %dma_start3A_223, %dma_start3A_224] : memref<16x32x128xf32, #tpu.memory_space<vmem>> -> memref<1x32x128xf32, #tpu.memory_space<vmem>>
      %dma_start3A_226 = tpu.memref_squeeze %dma_start3A_225 : memref<1x32x128xf32, #tpu.memory_space<vmem>> -> memref<32x128xf32, #tpu.memory_space<vmem>>
      %dma_start3A_227 = arith.constant 0 : i32
      %dma_start3A_228 = tpu.memref_slice %arg5[%dma_start3A_227, %multiple_of3A_221] : memref<32x1000000xf32, #tpu.memory_space<hbm>> -> memref<32x128xf32, #tpu.memory_space<hbm>>
      %dma_start3A_229 = arith.constant 0 : i32
      %dma_start3A_230 = arith.constant 0 : i32
      %dma_start3A_231 = tpu.memref_slice %arg9[%dma_start3A_222, %dma_start3A_229, %dma_start3A_230] : memref<16x32x128xf32, #tpu.memory_space<vmem>> -> memref<1x32x128xf32, #tpu.memory_space<vmem>>
      %dma_start3A_232 = tpu.memref_squeeze %dma_start3A_231 : memref<1x32x128xf32, #tpu.memory_space<vmem>> -> memref<32x128xf32, #tpu.memory_space<vmem>>
      %dma_start3A_233 = arith.constant 0 : i32
      %dma_start3A_234 = tpu.memref_slice %arg5[%dma_start3A_233, %multiple_of3A_221] : memref<32x1000000xf32, #tpu.memory_space<hbm>> -> memref<32x128xf32, #tpu.memory_space<hbm>>
      tpu.enqueue_dma source(%dma_start3A_234 : memref<32x128xf32, #tpu.memory_space<hbm>>) target(%dma_start3A_232 : memref<32x128xf32, #tpu.memory_space<vmem>>) target_semaphore(%arg12 : memref<!tpu.dma_semaphore, #tpu.memory_space<semaphore_mem>>)
      %slice3A_235 = vector.extract_strided_slice %select_n3A {offsets = [11], sizes = [1], strides = [1]} : vector<16xi32> to vector<1xi32>
      %squeeze3A_236 = vector.extract %slice3A_235[0] : i32 from vector<1xi32>
      %mul3A_237 = arith.constant 128 : i32
      %mul3A_238 = arith.muli %squeeze3A_236, %mul3A_237 : i32
      %multiple_of3A_239 = tpu.assume_multiple %mul3A_238, 128 : i32
      %dma_start3A_240 = arith.constant 11 : i32
      %dma_start3A_241 = arith.constant 0 : i32
      %dma_start3A_242 = arith.constant 0 : i32
      %dma_start3A_243 = tpu.memref_slice %arg9[%dma_start3A_240, %dma_start3A_241, %dma_start3A_242] : memref<16x32x128xf32, #tpu.memory_space<vmem>> -> memref<1x32x128xf32, #tpu.memory_space<vmem>>
      %dma_start3A_244 = tpu.memref_squeeze %dma_start3A_243 : memref<1x32x128xf32, #tpu.memory_space<vmem>> -> memref<32x128xf32, #tpu.memory_space<vmem>>
      %dma_start3A_245 = arith.constant 0 : i32
      %dma_start3A_246 = tpu.memref_slice %arg5[%dma_start3A_245, %multiple_of3A_239] : memref<32x1000000xf32, #tpu.memory_space<hbm>> -> memref<32x128xf32, #tpu.memory_space<hbm>>
      %dma_start3A_247 = arith.constant 0 : i32
      %dma_start3A_248 = arith.constant 0 : i32
      %dma_start3A_249 = tpu.memref_slice %arg9[%dma_start3A_240, %dma_start3A_247, %dma_start3A_248] : memref<16x32x128xf32, #tpu.memory_space<vmem>> -> memref<1x32x128xf32, #tpu.memory_space<vmem>>
      %dma_start3A_250 = tpu.memref_squeeze %dma_start3A_249 : memref<1x32x128xf32, #tpu.memory_space<vmem>> -> memref<32x128xf32, #tpu.memory_space<vmem>>
      %dma_start3A_251 = arith.constant 0 : i32
      %dma_start3A_252 = tpu.memref_slice %arg5[%dma_start3A_251, %multiple_of3A_239] : memref<32x1000000xf32, #tpu.memory_space<hbm>> -> memref<32x128xf32, #tpu.memory_space<hbm>>
      tpu.enqueue_dma source(%dma_start3A_252 : memref<32x128xf32, #tpu.memory_space<hbm>>) target(%dma_start3A_250 : memref<32x128xf32, #tpu.memory_space<vmem>>) target_semaphore(%arg12 : memref<!tpu.dma_semaphore, #tpu.memory_space<semaphore_mem>>)
      %slice3A_253 = vector.extract_strided_slice %select_n3A {offsets = [12], sizes = [1], strides = [1]} : vector<16xi32> to vector<1xi32>
      %squeeze3A_254 = vector.extract %slice3A_253[0] : i32 from vector<1xi32>
      %mul3A_255 = arith.constant 128 : i32
      %mul3A_256 = arith.muli %squeeze3A_254, %mul3A_255 : i32
      %multiple_of3A_257 = tpu.assume_multiple %mul3A_256, 128 : i32
      %dma_start3A_258 = arith.constant 12 : i32
      %dma_start3A_259 = arith.constant 0 : i32
      %dma_start3A_260 = arith.constant 0 : i32
      %dma_start3A_261 = tpu.memref_slice %arg9[%dma_start3A_258, %dma_start3A_259, %dma_start3A_260] : memref<16x32x128xf32, #tpu.memory_space<vmem>> -> memref<1x32x128xf32, #tpu.memory_space<vmem>>
      %dma_start3A_262 = tpu.memref_squeeze %dma_start3A_261 : memref<1x32x128xf32, #tpu.memory_space<vmem>> -> memref<32x128xf32, #tpu.memory_space<vmem>>
      %dma_start3A_263 = arith.constant 0 : i32
      %dma_start3A_264 = tpu.memref_slice %arg5[%dma_start3A_263, %multiple_of3A_257] : memref<32x1000000xf32, #tpu.memory_space<hbm>> -> memref<32x128xf32, #tpu.memory_space<hbm>>
      %dma_start3A_265 = arith.constant 0 : i32
      %dma_start3A_266 = arith.constant 0 : i32
      %dma_start3A_267 = tpu.memref_slice %arg9[%dma_start3A_258, %dma_start3A_265, %dma_start3A_266] : memref<16x32x128xf32, #tpu.memory_space<vmem>> -> memref<1x32x128xf32, #tpu.memory_space<vmem>>
      %dma_start3A_268 = tpu.memref_squeeze %dma_start3A_267 : memref<1x32x128xf32, #tpu.memory_space<vmem>> -> memref<32x128xf32, #tpu.memory_space<vmem>>
      %dma_start3A_269 = arith.constant 0 : i32
      %dma_start3A_270 = tpu.memref_slice %arg5[%dma_start3A_269, %multiple_of3A_257] : memref<32x1000000xf32, #tpu.memory_space<hbm>> -> memref<32x128xf32, #tpu.memory_space<hbm>>
      tpu.enqueue_dma source(%dma_start3A_270 : memref<32x128xf32, #tpu.memory_space<hbm>>) target(%dma_start3A_268 : memref<32x128xf32, #tpu.memory_space<vmem>>) target_semaphore(%arg12 : memref<!tpu.dma_semaphore, #tpu.memory_space<semaphore_mem>>)
      %slice3A_271 = vector.extract_strided_slice %select_n3A {offsets = [13], sizes = [1], strides = [1]} : vector<16xi32> to vector<1xi32>
      %squeeze3A_272 = vector.extract %slice3A_271[0] : i32 from vector<1xi32>
      %mul3A_273 = arith.constant 128 : i32
      %mul3A_274 = arith.muli %squeeze3A_272, %mul3A_273 : i32
      %multiple_of3A_275 = tpu.assume_multiple %mul3A_274, 128 : i32
      %dma_start3A_276 = arith.constant 13 : i32
      %dma_start3A_277 = arith.constant 0 : i32
      %dma_start3A_278 = arith.constant 0 : i32
      %dma_start3A_279 = tpu.memref_slice %arg9[%dma_start3A_276, %dma_start3A_277, %dma_start3A_278] : memref<16x32x128xf32, #tpu.memory_space<vmem>> -> memref<1x32x128xf32, #tpu.memory_space<vmem>>
      %dma_start3A_280 = tpu.memref_squeeze %dma_start3A_279 : memref<1x32x128xf32, #tpu.memory_space<vmem>> -> memref<32x128xf32, #tpu.memory_space<vmem>>
      %dma_start3A_281 = arith.constant 0 : i32
      %dma_start3A_282 = tpu.memref_slice %arg5[%dma_start3A_281, %multiple_of3A_275] : memref<32x1000000xf32, #tpu.memory_space<hbm>> -> memref<32x128xf32, #tpu.memory_space<hbm>>
      %dma_start3A_283 = arith.constant 0 : i32
      %dma_start3A_284 = arith.constant 0 : i32
      %dma_start3A_285 = tpu.memref_slice %arg9[%dma_start3A_276, %dma_start3A_283, %dma_start3A_284] : memref<16x32x128xf32, #tpu.memory_space<vmem>> -> memref<1x32x128xf32, #tpu.memory_space<vmem>>
      %dma_start3A_286 = tpu.memref_squeeze %dma_start3A_285 : memref<1x32x128xf32, #tpu.memory_space<vmem>> -> memref<32x128xf32, #tpu.memory_space<vmem>>
      %dma_start3A_287 = arith.constant 0 : i32
      %dma_start3A_288 = tpu.memref_slice %arg5[%dma_start3A_287, %multiple_of3A_275] : memref<32x1000000xf32, #tpu.memory_space<hbm>> -> memref<32x128xf32, #tpu.memory_space<hbm>>
      tpu.enqueue_dma source(%dma_start3A_288 : memref<32x128xf32, #tpu.memory_space<hbm>>) target(%dma_start3A_286 : memref<32x128xf32, #tpu.memory_space<vmem>>) target_semaphore(%arg12 : memref<!tpu.dma_semaphore, #tpu.memory_space<semaphore_mem>>)
      %slice3A_289 = vector.extract_strided_slice %select_n3A {offsets = [14], sizes = [1], strides = [1]} : vector<16xi32> to vector<1xi32>
      %squeeze3A_290 = vector.extract %slice3A_289[0] : i32 from vector<1xi32>
      %mul3A_291 = arith.constant 128 : i32
      %mul3A_292 = arith.muli %squeeze3A_290, %mul3A_291 : i32
      %multiple_of3A_293 = tpu.assume_multiple %mul3A_292, 128 : i32
      %dma_start3A_294 = arith.constant 14 : i32
      %dma_start3A_295 = arith.constant 0 : i32
      %dma_start3A_296 = arith.constant 0 : i32
      %dma_start3A_297 = tpu.memref_slice %arg9[%dma_start3A_294, %dma_start3A_295, %dma_start3A_296] : memref<16x32x128xf32, #tpu.memory_space<vmem>> -> memref<1x32x128xf32, #tpu.memory_space<vmem>>
      %dma_start3A_298 = tpu.memref_squeeze %dma_start3A_297 : memref<1x32x128xf32, #tpu.memory_space<vmem>> -> memref<32x128xf32, #tpu.memory_space<vmem>>
      %dma_start3A_299 = arith.constant 0 : i32
      %dma_start3A_300 = tpu.memref_slice %arg5[%dma_start3A_299, %multiple_of3A_293] : memref<32x1000000xf32, #tpu.memory_space<hbm>> -> memref<32x128xf32, #tpu.memory_space<hbm>>
      %dma_start3A_301 = arith.constant 0 : i32
      %dma_start3A_302 = arith.constant 0 : i32
      %dma_start3A_303 = tpu.memref_slice %arg9[%dma_start3A_294, %dma_start3A_301, %dma_start3A_302] : memref<16x32x128xf32, #tpu.memory_space<vmem>> -> memref<1x32x128xf32, #tpu.memory_space<vmem>>
      %dma_start3A_304 = tpu.memref_squeeze %dma_start3A_303 : memref<1x32x128xf32, #tpu.memory_space<vmem>> -> memref<32x128xf32, #tpu.memory_space<vmem>>
      %dma_start3A_305 = arith.constant 0 : i32
      %dma_start3A_306 = tpu.memref_slice %arg5[%dma_start3A_305, %multiple_of3A_293] : memref<32x1000000xf32, #tpu.memory_space<hbm>> -> memref<32x128xf32, #tpu.memory_space<hbm>>
      tpu.enqueue_dma source(%dma_start3A_306 : memref<32x128xf32, #tpu.memory_space<hbm>>) target(%dma_start3A_304 : memref<32x128xf32, #tpu.memory_space<vmem>>) target_semaphore(%arg12 : memref<!tpu.dma_semaphore, #tpu.memory_space<semaphore_mem>>)
      %slice3A_307 = vector.extract_strided_slice %select_n3A {offsets = [15], sizes = [1], strides = [1]} : vector<16xi32> to vector<1xi32>
      %squeeze3A_308 = vector.extract %slice3A_307[0] : i32 from vector<1xi32>
      %mul3A_309 = arith.constant 128 : i32
      %mul3A_310 = arith.muli %squeeze3A_308, %mul3A_309 : i32
      %multiple_of3A_311 = tpu.assume_multiple %mul3A_310, 128 : i32
      %dma_start3A_312 = arith.constant 15 : i32
      %dma_start3A_313 = arith.constant 0 : i32
      %dma_start3A_314 = arith.constant 0 : i32
      %dma_start3A_315 = tpu.memref_slice %arg9[%dma_start3A_312, %dma_start3A_313, %dma_start3A_314] : memref<16x32x128xf32, #tpu.memory_space<vmem>> -> memref<1x32x128xf32, #tpu.memory_space<vmem>>
      %dma_start3A_316 = tpu.memref_squeeze %dma_start3A_315 : memref<1x32x128xf32, #tpu.memory_space<vmem>> -> memref<32x128xf32, #tpu.memory_space<vmem>>
      %dma_start3A_317 = arith.constant 0 : i32
      %dma_start3A_318 = tpu.memref_slice %arg5[%dma_start3A_317, %multiple_of3A_311] : memref<32x1000000xf32, #tpu.memory_space<hbm>> -> memref<32x128xf32, #tpu.memory_space<hbm>>
      %dma_start3A_319 = arith.constant 0 : i32
      %dma_start3A_320 = arith.constant 0 : i32
      %dma_start3A_321 = tpu.memref_slice %arg9[%dma_start3A_312, %dma_start3A_319, %dma_start3A_320] : memref<16x32x128xf32, #tpu.memory_space<vmem>> -> memref<1x32x128xf32, #tpu.memory_space<vmem>>
      %dma_start3A_322 = tpu.memref_squeeze %dma_start3A_321 : memref<1x32x128xf32, #tpu.memory_space<vmem>> -> memref<32x128xf32, #tpu.memory_space<vmem>>
      %dma_start3A_323 = arith.constant 0 : i32
      %dma_start3A_324 = tpu.memref_slice %arg5[%dma_start3A_323, %multiple_of3A_311] : memref<32x1000000xf32, #tpu.memory_space<hbm>> -> memref<32x128xf32, #tpu.memory_space<hbm>>
      tpu.enqueue_dma source(%dma_start3A_324 : memref<32x128xf32, #tpu.memory_space<hbm>>) target(%dma_start3A_322 : memref<32x128xf32, #tpu.memory_space<vmem>>) target_semaphore(%arg12 : memref<!tpu.dma_semaphore, #tpu.memory_space<semaphore_mem>>)
      %dma_wait3A = arith.constant 0 : i32
      %dma_wait3A_325 = arith.constant 0 : i32
      %dma_wait3A_326 = arith.constant 0 : i32
      %dma_wait3A_327 = tpu.memref_slice %arg9[%dma_wait3A, %dma_wait3A_325, %dma_wait3A_326] : memref<16x32x128xf32, #tpu.memory_space<vmem>> -> memref<1x32x128xf32, #tpu.memory_space<vmem>>
      %dma_wait3A_328 = tpu.memref_squeeze %dma_wait3A_327 : memref<1x32x128xf32, #tpu.memory_space<vmem>> -> memref<32x128xf32, #tpu.memory_space<vmem>>
      %dma_wait3A_329 = arith.constant 0 : i32
      %dma_wait3A_330 = tpu.memref_slice %arg5[%dma_wait3A_329, %multiple_of3A] : memref<32x1000000xf32, #tpu.memory_space<hbm>> -> memref<32x128xf32, #tpu.memory_space<hbm>>
      %dma_wait3A_331 = arith.constant 0 : i32
      %dma_wait3A_332 = arith.constant 0 : i32
      %dma_wait3A_333 = tpu.memref_slice %arg9[%dma_wait3A, %dma_wait3A_331, %dma_wait3A_332] : memref<16x32x128xf32, #tpu.memory_space<vmem>> -> memref<1x32x128xf32, #tpu.memory_space<vmem>>
      %dma_wait3A_334 = tpu.memref_squeeze %dma_wait3A_333 : memref<1x32x128xf32, #tpu.memory_space<vmem>> -> memref<32x128xf32, #tpu.memory_space<vmem>>
      %dma_wait3A_335 = arith.constant 0 : i32
      %dma_wait3A_336 = tpu.memref_slice %arg5[%dma_wait3A_335, %multiple_of3A] : memref<32x1000000xf32, #tpu.memory_space<hbm>> -> memref<32x128xf32, #tpu.memory_space<hbm>>
      tpu.wait_dma2 semaphore(%arg12 : memref<!tpu.dma_semaphore, #tpu.memory_space<semaphore_mem>>) src(%dma_wait3A_336 : memref<32x128xf32, #tpu.memory_space<hbm>>) dst(%dma_wait3A_334 : memref<32x128xf32, #tpu.memory_space<vmem>>)
      %dma_wait3A_337 = arith.constant 1 : i32
      %dma_wait3A_338 = arith.constant 0 : i32
      %dma_wait3A_339 = arith.constant 0 : i32
      %dma_wait3A_340 = tpu.memref_slice %arg9[%dma_wait3A_337, %dma_wait3A_338, %dma_wait3A_339] : memref<16x32x128xf32, #tpu.memory_space<vmem>> -> memref<1x32x128xf32, #tpu.memory_space<vmem>>
      %dma_wait3A_341 = tpu.memref_squeeze %dma_wait3A_340 : memref<1x32x128xf32, #tpu.memory_space<vmem>> -> memref<32x128xf32, #tpu.memory_space<vmem>>
      %dma_wait3A_342 = arith.constant 0 : i32
      %dma_wait3A_343 = tpu.memref_slice %arg5[%dma_wait3A_342, %multiple_of3A_59] : memref<32x1000000xf32, #tpu.memory_space<hbm>> -> memref<32x128xf32, #tpu.memory_space<hbm>>
      %dma_wait3A_344 = arith.constant 0 : i32
      %dma_wait3A_345 = arith.constant 0 : i32
      %dma_wait3A_346 = tpu.memref_slice %arg9[%dma_wait3A_337, %dma_wait3A_344, %dma_wait3A_345] : memref<16x32x128xf32, #tpu.memory_space<vmem>> -> memref<1x32x128xf32, #tpu.memory_space<vmem>>
      %dma_wait3A_347 = tpu.memref_squeeze %dma_wait3A_346 : memref<1x32x128xf32, #tpu.memory_space<vmem>> -> memref<32x128xf32, #tpu.memory_space<vmem>>
      %dma_wait3A_348 = arith.constant 0 : i32
      %dma_wait3A_349 = tpu.memref_slice %arg5[%dma_wait3A_348, %multiple_of3A_59] : memref<32x1000000xf32, #tpu.memory_space<hbm>> -> memref<32x128xf32, #tpu.memory_space<hbm>>
      tpu.wait_dma2 semaphore(%arg12 : memref<!tpu.dma_semaphore, #tpu.memory_space<semaphore_mem>>) src(%dma_wait3A_349 : memref<32x128xf32, #tpu.memory_space<hbm>>) dst(%dma_wait3A_347 : memref<32x128xf32, #tpu.memory_space<vmem>>)
      %dma_wait3A_350 = arith.constant 2 : i32
      %dma_wait3A_351 = arith.constant 0 : i32
      %dma_wait3A_352 = arith.constant 0 : i32
      %dma_wait3A_353 = tpu.memref_slice %arg9[%dma_wait3A_350, %dma_wait3A_351, %dma_wait3A_352] : memref<16x32x128xf32, #tpu.memory_space<vmem>> -> memref<1x32x128xf32, #tpu.memory_space<vmem>>
      %dma_wait3A_354 = tpu.memref_squeeze %dma_wait3A_353 : memref<1x32x128xf32, #tpu.memory_space<vmem>> -> memref<32x128xf32, #tpu.memory_space<vmem>>
      %dma_wait3A_355 = arith.constant 0 : i32
      %dma_wait3A_356 = tpu.memref_slice %arg5[%dma_wait3A_355, %multiple_of3A_77] : memref<32x1000000xf32, #tpu.memory_space<hbm>> -> memref<32x128xf32, #tpu.memory_space<hbm>>
      %dma_wait3A_357 = arith.constant 0 : i32
      %dma_wait3A_358 = arith.constant 0 : i32
      %dma_wait3A_359 = tpu.memref_slice %arg9[%dma_wait3A_350, %dma_wait3A_357, %dma_wait3A_358] : memref<16x32x128xf32, #tpu.memory_space<vmem>> -> memref<1x32x128xf32, #tpu.memory_space<vmem>>
      %dma_wait3A_360 = tpu.memref_squeeze %dma_wait3A_359 : memref<1x32x128xf32, #tpu.memory_space<vmem>> -> memref<32x128xf32, #tpu.memory_space<vmem>>
      %dma_wait3A_361 = arith.constant 0 : i32
      %dma_wait3A_362 = tpu.memref_slice %arg5[%dma_wait3A_361, %multiple_of3A_77] : memref<32x1000000xf32, #tpu.memory_space<hbm>> -> memref<32x128xf32, #tpu.memory_space<hbm>>
      tpu.wait_dma2 semaphore(%arg12 : memref<!tpu.dma_semaphore, #tpu.memory_space<semaphore_mem>>) src(%dma_wait3A_362 : memref<32x128xf32, #tpu.memory_space<hbm>>) dst(%dma_wait3A_360 : memref<32x128xf32, #tpu.memory_space<vmem>>)
      %dma_wait3A_363 = arith.constant 3 : i32
      %dma_wait3A_364 = arith.constant 0 : i32
      %dma_wait3A_365 = arith.constant 0 : i32
      %dma_wait3A_366 = tpu.memref_slice %arg9[%dma_wait3A_363, %dma_wait3A_364, %dma_wait3A_365] : memref<16x32x128xf32, #tpu.memory_space<vmem>> -> memref<1x32x128xf32, #tpu.memory_space<vmem>>
      %dma_wait3A_367 = tpu.memref_squeeze %dma_wait3A_366 : memref<1x32x128xf32, #tpu.memory_space<vmem>> -> memref<32x128xf32, #tpu.memory_space<vmem>>
      %dma_wait3A_368 = arith.constant 0 : i32
      %dma_wait3A_369 = tpu.memref_slice %arg5[%dma_wait3A_368, %multiple_of3A_95] : memref<32x1000000xf32, #tpu.memory_space<hbm>> -> memref<32x128xf32, #tpu.memory_space<hbm>>
      %dma_wait3A_370 = arith.constant 0 : i32
      %dma_wait3A_371 = arith.constant 0 : i32
      %dma_wait3A_372 = tpu.memref_slice %arg9[%dma_wait3A_363, %dma_wait3A_370, %dma_wait3A_371] : memref<16x32x128xf32, #tpu.memory_space<vmem>> -> memref<1x32x128xf32, #tpu.memory_space<vmem>>
      %dma_wait3A_373 = tpu.memref_squeeze %dma_wait3A_372 : memref<1x32x128xf32, #tpu.memory_space<vmem>> -> memref<32x128xf32, #tpu.memory_space<vmem>>
      %dma_wait3A_374 = arith.constant 0 : i32
      %dma_wait3A_375 = tpu.memref_slice %arg5[%dma_wait3A_374, %multiple_of3A_95] : memref<32x1000000xf32, #tpu.memory_space<hbm>> -> memref<32x128xf32, #tpu.memory_space<hbm>>
      tpu.wait_dma2 semaphore(%arg12 : memref<!tpu.dma_semaphore, #tpu.memory_space<semaphore_mem>>) src(%dma_wait3A_375 : memref<32x128xf32, #tpu.memory_space<hbm>>) dst(%dma_wait3A_373 : memref<32x128xf32, #tpu.memory_space<vmem>>)
      %dma_wait3A_376 = arith.constant 4 : i32
      %dma_wait3A_377 = arith.constant 0 : i32
      %dma_wait3A_378 = arith.constant 0 : i32
      %dma_wait3A_379 = tpu.memref_slice %arg9[%dma_wait3A_376, %dma_wait3A_377, %dma_wait3A_378] : memref<16x32x128xf32, #tpu.memory_space<vmem>> -> memref<1x32x128xf32, #tpu.memory_space<vmem>>
      %dma_wait3A_380 = tpu.memref_squeeze %dma_wait3A_379 : memref<1x32x128xf32, #tpu.memory_space<vmem>> -> memref<32x128xf32, #tpu.memory_space<vmem>>
      %dma_wait3A_381 = arith.constant 0 : i32
      %dma_wait3A_382 = tpu.memref_slice %arg5[%dma_wait3A_381, %multiple_of3A_113] : memref<32x1000000xf32, #tpu.memory_space<hbm>> -> memref<32x128xf32, #tpu.memory_space<hbm>>
      %dma_wait3A_383 = arith.constant 0 : i32
      %dma_wait3A_384 = arith.constant 0 : i32
      %dma_wait3A_385 = tpu.memref_slice %arg9[%dma_wait3A_376, %dma_wait3A_383, %dma_wait3A_384] : memref<16x32x128xf32, #tpu.memory_space<vmem>> -> memref<1x32x128xf32, #tpu.memory_space<vmem>>
      %dma_wait3A_386 = tpu.memref_squeeze %dma_wait3A_385 : memref<1x32x128xf32, #tpu.memory_space<vmem>> -> memref<32x128xf32, #tpu.memory_space<vmem>>
      %dma_wait3A_387 = arith.constant 0 : i32
      %dma_wait3A_388 = tpu.memref_slice %arg5[%dma_wait3A_387, %multiple_of3A_113] : memref<32x1000000xf32, #tpu.memory_space<hbm>> -> memref<32x128xf32, #tpu.memory_space<hbm>>
      tpu.wait_dma2 semaphore(%arg12 : memref<!tpu.dma_semaphore, #tpu.memory_space<semaphore_mem>>) src(%dma_wait3A_388 : memref<32x128xf32, #tpu.memory_space<hbm>>) dst(%dma_wait3A_386 : memref<32x128xf32, #tpu.memory_space<vmem>>)
      %dma_wait3A_389 = arith.constant 5 : i32
      %dma_wait3A_390 = arith.constant 0 : i32
      %dma_wait3A_391 = arith.constant 0 : i32
      %dma_wait3A_392 = tpu.memref_slice %arg9[%dma_wait3A_389, %dma_wait3A_390, %dma_wait3A_391] : memref<16x32x128xf32, #tpu.memory_space<vmem>> -> memref<1x32x128xf32, #tpu.memory_space<vmem>>
      %dma_wait3A_393 = tpu.memref_squeeze %dma_wait3A_392 : memref<1x32x128xf32, #tpu.memory_space<vmem>> -> memref<32x128xf32, #tpu.memory_space<vmem>>
      %dma_wait3A_394 = arith.constant 0 : i32
      %dma_wait3A_395 = tpu.memref_slice %arg5[%dma_wait3A_394, %multiple_of3A_131] : memref<32x1000000xf32, #tpu.memory_space<hbm>> -> memref<32x128xf32, #tpu.memory_space<hbm>>
      %dma_wait3A_396 = arith.constant 0 : i32
      %dma_wait3A_397 = arith.constant 0 : i32
      %dma_wait3A_398 = tpu.memref_slice %arg9[%dma_wait3A_389, %dma_wait3A_396, %dma_wait3A_397] : memref<16x32x128xf32, #tpu.memory_space<vmem>> -> memref<1x32x128xf32, #tpu.memory_space<vmem>>
      %dma_wait3A_399 = tpu.memref_squeeze %dma_wait3A_398 : memref<1x32x128xf32, #tpu.memory_space<vmem>> -> memref<32x128xf32, #tpu.memory_space<vmem>>
      %dma_wait3A_400 = arith.constant 0 : i32
      %dma_wait3A_401 = tpu.memref_slice %arg5[%dma_wait3A_400, %multiple_of3A_131] : memref<32x1000000xf32, #tpu.memory_space<hbm>> -> memref<32x128xf32, #tpu.memory_space<hbm>>
      tpu.wait_dma2 semaphore(%arg12 : memref<!tpu.dma_semaphore, #tpu.memory_space<semaphore_mem>>) src(%dma_wait3A_401 : memref<32x128xf32, #tpu.memory_space<hbm>>) dst(%dma_wait3A_399 : memref<32x128xf32, #tpu.memory_space<vmem>>)
      %dma_wait3A_402 = arith.constant 6 : i32
      %dma_wait3A_403 = arith.constant 0 : i32
      %dma_wait3A_404 = arith.constant 0 : i32
      %dma_wait3A_405 = tpu.memref_slice %arg9[%dma_wait3A_402, %dma_wait3A_403, %dma_wait3A_404] : memref<16x32x128xf32, #tpu.memory_space<vmem>> -> memref<1x32x128xf32, #tpu.memory_space<vmem>>
      %dma_wait3A_406 = tpu.memref_squeeze %dma_wait3A_405 : memref<1x32x128xf32, #tpu.memory_space<vmem>> -> memref<32x128xf32, #tpu.memory_space<vmem>>
      %dma_wait3A_407 = arith.constant 0 : i32
      %dma_wait3A_408 = tpu.memref_slice %arg5[%dma_wait3A_407, %multiple_of3A_149] : memref<32x1000000xf32, #tpu.memory_space<hbm>> -> memref<32x128xf32, #tpu.memory_space<hbm>>
      %dma_wait3A_409 = arith.constant 0 : i32
      %dma_wait3A_410 = arith.constant 0 : i32
      %dma_wait3A_411 = tpu.memref_slice %arg9[%dma_wait3A_402, %dma_wait3A_409, %dma_wait3A_410] : memref<16x32x128xf32, #tpu.memory_space<vmem>> -> memref<1x32x128xf32, #tpu.memory_space<vmem>>
      %dma_wait3A_412 = tpu.memref_squeeze %dma_wait3A_411 : memref<1x32x128xf32, #tpu.memory_space<vmem>> -> memref<32x128xf32, #tpu.memory_space<vmem>>
      %dma_wait3A_413 = arith.constant 0 : i32
      %dma_wait3A_414 = tpu.memref_slice %arg5[%dma_wait3A_413, %multiple_of3A_149] : memref<32x1000000xf32, #tpu.memory_space<hbm>> -> memref<32x128xf32, #tpu.memory_space<hbm>>
      tpu.wait_dma2 semaphore(%arg12 : memref<!tpu.dma_semaphore, #tpu.memory_space<semaphore_mem>>) src(%dma_wait3A_414 : memref<32x128xf32, #tpu.memory_space<hbm>>) dst(%dma_wait3A_412 : memref<32x128xf32, #tpu.memory_space<vmem>>)
      %dma_wait3A_415 = arith.constant 7 : i32
      %dma_wait3A_416 = arith.constant 0 : i32
      %dma_wait3A_417 = arith.constant 0 : i32
      %dma_wait3A_418 = tpu.memref_slice %arg9[%dma_wait3A_415, %dma_wait3A_416, %dma_wait3A_417] : memref<16x32x128xf32, #tpu.memory_space<vmem>> -> memref<1x32x128xf32, #tpu.memory_space<vmem>>
      %dma_wait3A_419 = tpu.memref_squeeze %dma_wait3A_418 : memref<1x32x128xf32, #tpu.memory_space<vmem>> -> memref<32x128xf32, #tpu.memory_space<vmem>>
      %dma_wait3A_420 = arith.constant 0 : i32
      %dma_wait3A_421 = tpu.memref_slice %arg5[%dma_wait3A_420, %multiple_of3A_167] : memref<32x1000000xf32, #tpu.memory_space<hbm>> -> memref<32x128xf32, #tpu.memory_space<hbm>>
      %dma_wait3A_422 = arith.constant 0 : i32
      %dma_wait3A_423 = arith.constant 0 : i32
      %dma_wait3A_424 = tpu.memref_slice %arg9[%dma_wait3A_415, %dma_wait3A_422, %dma_wait3A_423] : memref<16x32x128xf32, #tpu.memory_space<vmem>> -> memref<1x32x128xf32, #tpu.memory_space<vmem>>
      %dma_wait3A_425 = tpu.memref_squeeze %dma_wait3A_424 : memref<1x32x128xf32, #tpu.memory_space<vmem>> -> memref<32x128xf32, #tpu.memory_space<vmem>>
      %dma_wait3A_426 = arith.constant 0 : i32
      %dma_wait3A_427 = tpu.memref_slice %arg5[%dma_wait3A_426, %multiple_of3A_167] : memref<32x1000000xf32, #tpu.memory_space<hbm>> -> memref<32x128xf32, #tpu.memory_space<hbm>>
      tpu.wait_dma2 semaphore(%arg12 : memref<!tpu.dma_semaphore, #tpu.memory_space<semaphore_mem>>) src(%dma_wait3A_427 : memref<32x128xf32, #tpu.memory_space<hbm>>) dst(%dma_wait3A_425 : memref<32x128xf32, #tpu.memory_space<vmem>>)
      %dma_wait3A_428 = arith.constant 8 : i32
      %dma_wait3A_429 = arith.constant 0 : i32
      %dma_wait3A_430 = arith.constant 0 : i32
      %dma_wait3A_431 = tpu.memref_slice %arg9[%dma_wait3A_428, %dma_wait3A_429, %dma_wait3A_430] : memref<16x32x128xf32, #tpu.memory_space<vmem>> -> memref<1x32x128xf32, #tpu.memory_space<vmem>>
      %dma_wait3A_432 = tpu.memref_squeeze %dma_wait3A_431 : memref<1x32x128xf32, #tpu.memory_space<vmem>> -> memref<32x128xf32, #tpu.memory_space<vmem>>
      %dma_wait3A_433 = arith.constant 0 : i32
      %dma_wait3A_434 = tpu.memref_slice %arg5[%dma_wait3A_433, %multiple_of3A_185] : memref<32x1000000xf32, #tpu.memory_space<hbm>> -> memref<32x128xf32, #tpu.memory_space<hbm>>
      %dma_wait3A_435 = arith.constant 0 : i32
      %dma_wait3A_436 = arith.constant 0 : i32
      %dma_wait3A_437 = tpu.memref_slice %arg9[%dma_wait3A_428, %dma_wait3A_435, %dma_wait3A_436] : memref<16x32x128xf32, #tpu.memory_space<vmem>> -> memref<1x32x128xf32, #tpu.memory_space<vmem>>
      %dma_wait3A_438 = tpu.memref_squeeze %dma_wait3A_437 : memref<1x32x128xf32, #tpu.memory_space<vmem>> -> memref<32x128xf32, #tpu.memory_space<vmem>>
      %dma_wait3A_439 = arith.constant 0 : i32
      %dma_wait3A_440 = tpu.memref_slice %arg5[%dma_wait3A_439, %multiple_of3A_185] : memref<32x1000000xf32, #tpu.memory_space<hbm>> -> memref<32x128xf32, #tpu.memory_space<hbm>>
      tpu.wait_dma2 semaphore(%arg12 : memref<!tpu.dma_semaphore, #tpu.memory_space<semaphore_mem>>) src(%dma_wait3A_440 : memref<32x128xf32, #tpu.memory_space<hbm>>) dst(%dma_wait3A_438 : memref<32x128xf32, #tpu.memory_space<vmem>>)
      %dma_wait3A_441 = arith.constant 9 : i32
      %dma_wait3A_442 = arith.constant 0 : i32
      %dma_wait3A_443 = arith.constant 0 : i32
      %dma_wait3A_444 = tpu.memref_slice %arg9[%dma_wait3A_441, %dma_wait3A_442, %dma_wait3A_443] : memref<16x32x128xf32, #tpu.memory_space<vmem>> -> memref<1x32x128xf32, #tpu.memory_space<vmem>>
      %dma_wait3A_445 = tpu.memref_squeeze %dma_wait3A_444 : memref<1x32x128xf32, #tpu.memory_space<vmem>> -> memref<32x128xf32, #tpu.memory_space<vmem>>
      %dma_wait3A_446 = arith.constant 0 : i32
      %dma_wait3A_447 = tpu.memref_slice %arg5[%dma_wait3A_446, %multiple_of3A_203] : memref<32x1000000xf32, #tpu.memory_space<hbm>> -> memref<32x128xf32, #tpu.memory_space<hbm>>
      %dma_wait3A_448 = arith.constant 0 : i32
      %dma_wait3A_449 = arith.constant 0 : i32
      %dma_wait3A_450 = tpu.memref_slice %arg9[%dma_wait3A_441, %dma_wait3A_448, %dma_wait3A_449] : memref<16x32x128xf32, #tpu.memory_space<vmem>> -> memref<1x32x128xf32, #tpu.memory_space<vmem>>
      %dma_wait3A_451 = tpu.memref_squeeze %dma_wait3A_450 : memref<1x32x128xf32, #tpu.memory_space<vmem>> -> memref<32x128xf32, #tpu.memory_space<vmem>>
      %dma_wait3A_452 = arith.constant 0 : i32
      %dma_wait3A_453 = tpu.memref_slice %arg5[%dma_wait3A_452, %multiple_of3A_203] : memref<32x1000000xf32, #tpu.memory_space<hbm>> -> memref<32x128xf32, #tpu.memory_space<hbm>>
      tpu.wait_dma2 semaphore(%arg12 : memref<!tpu.dma_semaphore, #tpu.memory_space<semaphore_mem>>) src(%dma_wait3A_453 : memref<32x128xf32, #tpu.memory_space<hbm>>) dst(%dma_wait3A_451 : memref<32x128xf32, #tpu.memory_space<vmem>>)
      %dma_wait3A_454 = arith.constant 10 : i32
      %dma_wait3A_455 = arith.constant 0 : i32
      %dma_wait3A_456 = arith.constant 0 : i32
      %dma_wait3A_457 = tpu.memref_slice %arg9[%dma_wait3A_454, %dma_wait3A_455, %dma_wait3A_456] : memref<16x32x128xf32, #tpu.memory_space<vmem>> -> memref<1x32x128xf32, #tpu.memory_space<vmem>>
      %dma_wait3A_458 = tpu.memref_squeeze %dma_wait3A_457 : memref<1x32x128xf32, #tpu.memory_space<vmem>> -> memref<32x128xf32, #tpu.memory_space<vmem>>
      %dma_wait3A_459 = arith.constant 0 : i32
      %dma_wait3A_460 = tpu.memref_slice %arg5[%dma_wait3A_459, %multiple_of3A_221] : memref<32x1000000xf32, #tpu.memory_space<hbm>> -> memref<32x128xf32, #tpu.memory_space<hbm>>
      %dma_wait3A_461 = arith.constant 0 : i32
      %dma_wait3A_462 = arith.constant 0 : i32
      %dma_wait3A_463 = tpu.memref_slice %arg9[%dma_wait3A_454, %dma_wait3A_461, %dma_wait3A_462] : memref<16x32x128xf32, #tpu.memory_space<vmem>> -> memref<1x32x128xf32, #tpu.memory_space<vmem>>
      %dma_wait3A_464 = tpu.memref_squeeze %dma_wait3A_463 : memref<1x32x128xf32, #tpu.memory_space<vmem>> -> memref<32x128xf32, #tpu.memory_space<vmem>>
      %dma_wait3A_465 = arith.constant 0 : i32
      %dma_wait3A_466 = tpu.memref_slice %arg5[%dma_wait3A_465, %multiple_of3A_221] : memref<32x1000000xf32, #tpu.memory_space<hbm>> -> memref<32x128xf32, #tpu.memory_space<hbm>>
      tpu.wait_dma2 semaphore(%arg12 : memref<!tpu.dma_semaphore, #tpu.memory_space<semaphore_mem>>) src(%dma_wait3A_466 : memref<32x128xf32, #tpu.memory_space<hbm>>) dst(%dma_wait3A_464 : memref<32x128xf32, #tpu.memory_space<vmem>>)
      %dma_wait3A_467 = arith.constant 11 : i32
      %dma_wait3A_468 = arith.constant 0 : i32
      %dma_wait3A_469 = arith.constant 0 : i32
      %dma_wait3A_470 = tpu.memref_slice %arg9[%dma_wait3A_467, %dma_wait3A_468, %dma_wait3A_469] : memref<16x32x128xf32, #tpu.memory_space<vmem>> -> memref<1x32x128xf32, #tpu.memory_space<vmem>>
      %dma_wait3A_471 = tpu.memref_squeeze %dma_wait3A_470 : memref<1x32x128xf32, #tpu.memory_space<vmem>> -> memref<32x128xf32, #tpu.memory_space<vmem>>
      %dma_wait3A_472 = arith.constant 0 : i32
      %dma_wait3A_473 = tpu.memref_slice %arg5[%dma_wait3A_472, %multiple_of3A_239] : memref<32x1000000xf32, #tpu.memory_space<hbm>> -> memref<32x128xf32, #tpu.memory_space<hbm>>
      %dma_wait3A_474 = arith.constant 0 : i32
      %dma_wait3A_475 = arith.constant 0 : i32
      %dma_wait3A_476 = tpu.memref_slice %arg9[%dma_wait3A_467, %dma_wait3A_474, %dma_wait3A_475] : memref<16x32x128xf32, #tpu.memory_space<vmem>> -> memref<1x32x128xf32, #tpu.memory_space<vmem>>
      %dma_wait3A_477 = tpu.memref_squeeze %dma_wait3A_476 : memref<1x32x128xf32, #tpu.memory_space<vmem>> -> memref<32x128xf32, #tpu.memory_space<vmem>>
      %dma_wait3A_478 = arith.constant 0 : i32
      %dma_wait3A_479 = tpu.memref_slice %arg5[%dma_wait3A_478, %multiple_of3A_239] : memref<32x1000000xf32, #tpu.memory_space<hbm>> -> memref<32x128xf32, #tpu.memory_space<hbm>>
      tpu.wait_dma2 semaphore(%arg12 : memref<!tpu.dma_semaphore, #tpu.memory_space<semaphore_mem>>) src(%dma_wait3A_479 : memref<32x128xf32, #tpu.memory_space<hbm>>) dst(%dma_wait3A_477 : memref<32x128xf32, #tpu.memory_space<vmem>>)
      %dma_wait3A_480 = arith.constant 12 : i32
      %dma_wait3A_481 = arith.constant 0 : i32
      %dma_wait3A_482 = arith.constant 0 : i32
      %dma_wait3A_483 = tpu.memref_slice %arg9[%dma_wait3A_480, %dma_wait3A_481, %dma_wait3A_482] : memref<16x32x128xf32, #tpu.memory_space<vmem>> -> memref<1x32x128xf32, #tpu.memory_space<vmem>>
      %dma_wait3A_484 = tpu.memref_squeeze %dma_wait3A_483 : memref<1x32x128xf32, #tpu.memory_space<vmem>> -> memref<32x128xf32, #tpu.memory_space<vmem>>
      %dma_wait3A_485 = arith.constant 0 : i32
      %dma_wait3A_486 = tpu.memref_slice %arg5[%dma_wait3A_485, %multiple_of3A_257] : memref<32x1000000xf32, #tpu.memory_space<hbm>> -> memref<32x128xf32, #tpu.memory_space<hbm>>
      %dma_wait3A_487 = arith.constant 0 : i32
      %dma_wait3A_488 = arith.constant 0 : i32
      %dma_wait3A_489 = tpu.memref_slice %arg9[%dma_wait3A_480, %dma_wait3A_487, %dma_wait3A_488] : memref<16x32x128xf32, #tpu.memory_space<vmem>> -> memref<1x32x128xf32, #tpu.memory_space<vmem>>
      %dma_wait3A_490 = tpu.memref_squeeze %dma_wait3A_489 : memref<1x32x128xf32, #tpu.memory_space<vmem>> -> memref<32x128xf32, #tpu.memory_space<vmem>>
      %dma_wait3A_491 = arith.constant 0 : i32
      %dma_wait3A_492 = tpu.memref_slice %arg5[%dma_wait3A_491, %multiple_of3A_257] : memref<32x1000000xf32, #tpu.memory_space<hbm>> -> memref<32x128xf32, #tpu.memory_space<hbm>>
      tpu.wait_dma2 semaphore(%arg12 : memref<!tpu.dma_semaphore, #tpu.memory_space<semaphore_mem>>) src(%dma_wait3A_492 : memref<32x128xf32, #tpu.memory_space<hbm>>) dst(%dma_wait3A_490 : memref<32x128xf32, #tpu.memory_space<vmem>>)
      %dma_wait3A_493 = arith.constant 13 : i32
      %dma_wait3A_494 = arith.constant 0 : i32
      %dma_wait3A_495 = arith.constant 0 : i32
      %dma_wait3A_496 = tpu.memref_slice %arg9[%dma_wait3A_493, %dma_wait3A_494, %dma_wait3A_495] : memref<16x32x128xf32, #tpu.memory_space<vmem>> -> memref<1x32x128xf32, #tpu.memory_space<vmem>>
      %dma_wait3A_497 = tpu.memref_squeeze %dma_wait3A_496 : memref<1x32x128xf32, #tpu.memory_space<vmem>> -> memref<32x128xf32, #tpu.memory_space<vmem>>
      %dma_wait3A_498 = arith.constant 0 : i32
      %dma_wait3A_499 = tpu.memref_slice %arg5[%dma_wait3A_498, %multiple_of3A_275] : memref<32x1000000xf32, #tpu.memory_space<hbm>> -> memref<32x128xf32, #tpu.memory_space<hbm>>
      %dma_wait3A_500 = arith.constant 0 : i32
      %dma_wait3A_501 = arith.constant 0 : i32
      %dma_wait3A_502 = tpu.memref_slice %arg9[%dma_wait3A_493, %dma_wait3A_500, %dma_wait3A_501] : memref<16x32x128xf32, #tpu.memory_space<vmem>> -> memref<1x32x128xf32, #tpu.memory_space<vmem>>
      %dma_wait3A_503 = tpu.memref_squeeze %dma_wait3A_502 : memref<1x32x128xf32, #tpu.memory_space<vmem>> -> memref<32x128xf32, #tpu.memory_space<vmem>>
      %dma_wait3A_504 = arith.constant 0 : i32
      %dma_wait3A_505 = tpu.memref_slice %arg5[%dma_wait3A_504, %multiple_of3A_275] : memref<32x1000000xf32, #tpu.memory_space<hbm>> -> memref<32x128xf32, #tpu.memory_space<hbm>>
      tpu.wait_dma2 semaphore(%arg12 : memref<!tpu.dma_semaphore, #tpu.memory_space<semaphore_mem>>) src(%dma_wait3A_505 : memref<32x128xf32, #tpu.memory_space<hbm>>) dst(%dma_wait3A_503 : memref<32x128xf32, #tpu.memory_space<vmem>>)
      %dma_wait3A_506 = arith.constant 14 : i32
      %dma_wait3A_507 = arith.constant 0 : i32
      %dma_wait3A_508 = arith.constant 0 : i32
      %dma_wait3A_509 = tpu.memref_slice %arg9[%dma_wait3A_506, %dma_wait3A_507, %dma_wait3A_508] : memref<16x32x128xf32, #tpu.memory_space<vmem>> -> memref<1x32x128xf32, #tpu.memory_space<vmem>>
      %dma_wait3A_510 = tpu.memref_squeeze %dma_wait3A_509 : memref<1x32x128xf32, #tpu.memory_space<vmem>> -> memref<32x128xf32, #tpu.memory_space<vmem>>
      %dma_wait3A_511 = arith.constant 0 : i32
      %dma_wait3A_512 = tpu.memref_slice %arg5[%dma_wait3A_511, %multiple_of3A_293] : memref<32x1000000xf32, #tpu.memory_space<hbm>> -> memref<32x128xf32, #tpu.memory_space<hbm>>
      %dma_wait3A_513 = arith.constant 0 : i32
      %dma_wait3A_514 = arith.constant 0 : i32
      %dma_wait3A_515 = tpu.memref_slice %arg9[%dma_wait3A_506, %dma_wait3A_513, %dma_wait3A_514] : memref<16x32x128xf32, #tpu.memory_space<vmem>> -> memref<1x32x128xf32, #tpu.memory_space<vmem>>
      %dma_wait3A_516 = tpu.memref_squeeze %dma_wait3A_515 : memref<1x32x128xf32, #tpu.memory_space<vmem>> -> memref<32x128xf32, #tpu.memory_space<vmem>>
      %dma_wait3A_517 = arith.constant 0 : i32
      %dma_wait3A_518 = tpu.memref_slice %arg5[%dma_wait3A_517, %multiple_of3A_293] : memref<32x1000000xf32, #tpu.memory_space<hbm>> -> memref<32x128xf32, #tpu.memory_space<hbm>>
      tpu.wait_dma2 semaphore(%arg12 : memref<!tpu.dma_semaphore, #tpu.memory_space<semaphore_mem>>) src(%dma_wait3A_518 : memref<32x128xf32, #tpu.memory_space<hbm>>) dst(%dma_wait3A_516 : memref<32x128xf32, #tpu.memory_space<vmem>>)
      %dma_wait3A_519 = arith.constant 15 : i32
      %dma_wait3A_520 = arith.constant 0 : i32
      %dma_wait3A_521 = arith.constant 0 : i32
      %dma_wait3A_522 = tpu.memref_slice %arg9[%dma_wait3A_519, %dma_wait3A_520, %dma_wait3A_521] : memref<16x32x128xf32, #tpu.memory_space<vmem>> -> memref<1x32x128xf32, #tpu.memory_space<vmem>>
      %dma_wait3A_523 = tpu.memref_squeeze %dma_wait3A_522 : memref<1x32x128xf32, #tpu.memory_space<vmem>> -> memref<32x128xf32, #tpu.memory_space<vmem>>
      %dma_wait3A_524 = arith.constant 0 : i32
      %dma_wait3A_525 = tpu.memref_slice %arg5[%dma_wait3A_524, %multiple_of3A_311] : memref<32x1000000xf32, #tpu.memory_space<hbm>> -> memref<32x128xf32, #tpu.memory_space<hbm>>
      %dma_wait3A_526 = arith.constant 0 : i32
      %dma_wait3A_527 = arith.constant 0 : i32
      %dma_wait3A_528 = tpu.memref_slice %arg9[%dma_wait3A_519, %dma_wait3A_526, %dma_wait3A_527] : memref<16x32x128xf32, #tpu.memory_space<vmem>> -> memref<1x32x128xf32, #tpu.memory_space<vmem>>
      %dma_wait3A_529 = tpu.memref_squeeze %dma_wait3A_528 : memref<1x32x128xf32, #tpu.memory_space<vmem>> -> memref<32x128xf32, #tpu.memory_space<vmem>>
      %dma_wait3A_530 = arith.constant 0 : i32
      %dma_wait3A_531 = tpu.memref_slice %arg5[%dma_wait3A_530, %multiple_of3A_311] : memref<32x1000000xf32, #tpu.memory_space<hbm>> -> memref<32x128xf32, #tpu.memory_space<hbm>>
      tpu.wait_dma2 semaphore(%arg12 : memref<!tpu.dma_semaphore, #tpu.memory_space<semaphore_mem>>) src(%dma_wait3A_531 : memref<32x128xf32, #tpu.memory_space<hbm>>) dst(%dma_wait3A_529 : memref<32x128xf32, #tpu.memory_space<vmem>>)
      %broadcast_in_dim3A = arith.constant 0.000000e+00 : f32
      %broadcast_in_dim3A_532 = vector.broadcast %broadcast_in_dim3A : f32 to vector<16xf32>
      %broadcast_in_dim3A_533 = arith.constant 0 : i32
      %broadcast_in_dim3A_534 = vector.broadcast %broadcast_in_dim3A_533 : i32 to vector<16xi32>
      %gather3A = tpu.vector_load_idx %arg9[%iota3A, %broadcast_in_dim3A_534, %sub3A_40] : memref<16x32x128xf32, #tpu.memory_space<vmem>>[vector<16xi32>, vector<16xi32>, vector<16xi32>], vector<16xf32>,
      %get3A_535 = arith.constant 0 : i32
      %get3A_536 = arith.index_cast %get3A_535 : i32 to index
      %get3A_537 = arith.index_cast %mul3A_12 : i32 to index
      %get3A_538 = tpu.vector_load %arg8[%get3A_536, %get3A_537] {strides = array<i32>} : memref<32x512xf32, #tpu.memory_space<vmem>>, vector<16xf32>,
      %get3A_539 = arith.constant 0 : i32
      %get3A_540 = arith.index_cast %get3A_539 : i32 to index
      %get3A_541 = arith.constant 0 : index
      %get3A_542 = tpu.vector_load %arg11[%get3A_540, %get3A_541] {strides = array<i32>} : memref<32x16xf32, #tpu.memory_space<vmem>>, vector<16xf32>,
      %add3A_543 = arith.addf %gather3A, %get3A_542 : vector<16xf32>
      %mul3A_544 = arith.mulf %get3A_538, %add3A_543 : vector<16xf32>
      %add3A_545 = arith.addf %broadcast_in_dim3A_532, %mul3A_544 : vector<16xf32>
      %broadcast_in_dim3A_546 = arith.constant 1 : i32
      %broadcast_in_dim3A_547 = vector.broadcast %broadcast_in_dim3A_546 : i32 to vector<16xi32>
      %gather3A_548 = tpu.vector_load_idx %arg9[%iota3A, %broadcast_in_dim3A_547, %sub3A_40] : memref<16x32x128xf32, #tpu.memory_space<vmem>>[vector<16xi32>, vector<16xi32>, vector<16xi32>], vector<16xf32>,
      %get3A_549 = arith.constant 1 : i32
      %get3A_550 = arith.index_cast %get3A_549 : i32 to index
      %get3A_551 = arith.index_cast %mul3A_12 : i32 to index
      %get3A_552 = tpu.vector_load %arg8[%get3A_550, %get3A_551] {strides = array<i32>} : memref<32x512xf32, #tpu.memory_space<vmem>>, vector<16xf32>,
      %get3A_553 = arith.constant 1 : i32
      %get3A_554 = arith.index_cast %get3A_553 : i32 to index
      %get3A_555 = arith.constant 0 : index
      %get3A_556 = tpu.vector_load %arg11[%get3A_554, %get3A_555] {strides = array<i32>} : memref<32x16xf32, #tpu.memory_space<vmem>>, vector<16xf32>,
      %add3A_557 = arith.addf %gather3A_548, %get3A_556 : vector<16xf32>
      %mul3A_558 = arith.mulf %get3A_552, %add3A_557 : vector<16xf32>
      %add3A_559 = arith.addf %add3A_545, %mul3A_558 : vector<16xf32>
      %broadcast_in_dim3A_560 = arith.constant 2 : i32
      %broadcast_in_dim3A_561 = vector.broadcast %broadcast_in_dim3A_560 : i32 to vector<16xi32>
      %gather3A_562 = tpu.vector_load_idx %arg9[%iota3A, %broadcast_in_dim3A_561, %sub3A_40] : memref<16x32x128xf32, #tpu.memory_space<vmem>>[vector<16xi32>, vector<16xi32>, vector<16xi32>], vector<16xf32>,
      %get3A_563 = arith.constant 2 : i32
      %get3A_564 = arith.index_cast %get3A_563 : i32 to index
      %get3A_565 = arith.index_cast %mul3A_12 : i32 to index
      %get3A_566 = tpu.vector_load %arg8[%get3A_564, %get3A_565] {strides = array<i32>} : memref<32x512xf32, #tpu.memory_space<vmem>>, vector<16xf32>,
      %get3A_567 = arith.constant 2 : i32
      %get3A_568 = arith.index_cast %get3A_567 : i32 to index
      %get3A_569 = arith.constant 0 : index
      %get3A_570 = tpu.vector_load %arg11[%get3A_568, %get3A_569] {strides = array<i32>} : memref<32x16xf32, #tpu.memory_space<vmem>>, vector<16xf32>,
      %add3A_571 = arith.addf %gather3A_562, %get3A_570 : vector<16xf32>
      %mul3A_572 = arith.mulf %get3A_566, %add3A_571 : vector<16xf32>
      %add3A_573 = arith.addf %add3A_559, %mul3A_572 : vector<16xf32>
      %broadcast_in_dim3A_574 = arith.constant 3 : i32
      %broadcast_in_dim3A_575 = vector.broadcast %broadcast_in_dim3A_574 : i32 to vector<16xi32>
      %gather3A_576 = tpu.vector_load_idx %arg9[%iota3A, %broadcast_in_dim3A_575, %sub3A_40] : memref<16x32x128xf32, #tpu.memory_space<vmem>>[vector<16xi32>, vector<16xi32>, vector<16xi32>], vector<16xf32>,
      %get3A_577 = arith.constant 3 : i32
      %get3A_578 = arith.index_cast %get3A_577 : i32 to index
      %get3A_579 = arith.index_cast %mul3A_12 : i32 to index
      %get3A_580 = tpu.vector_load %arg8[%get3A_578, %get3A_579] {strides = array<i32>} : memref<32x512xf32, #tpu.memory_space<vmem>>, vector<16xf32>,
      %get3A_581 = arith.constant 3 : i32
      %get3A_582 = arith.index_cast %get3A_581 : i32 to index
      %get3A_583 = arith.constant 0 : index
      %get3A_584 = tpu.vector_load %arg11[%get3A_582, %get3A_583] {strides = array<i32>} : memref<32x16xf32, #tpu.memory_space<vmem>>, vector<16xf32>,
      %add3A_585 = arith.addf %gather3A_576, %get3A_584 : vector<16xf32>
      %mul3A_586 = arith.mulf %get3A_580, %add3A_585 : vector<16xf32>
      %add3A_587 = arith.addf %add3A_573, %mul3A_586 : vector<16xf32>
      %broadcast_in_dim3A_588 = arith.constant 4 : i32
      %broadcast_in_dim3A_589 = vector.broadcast %broadcast_in_dim3A_588 : i32 to vector<16xi32>
      %gather3A_590 = tpu.vector_load_idx %arg9[%iota3A, %broadcast_in_dim3A_589, %sub3A_40] : memref<16x32x128xf32, #tpu.memory_space<vmem>>[vector<16xi32>, vector<16xi32>, vector<16xi32>], vector<16xf32>,
      %get3A_591 = arith.constant 4 : i32
      %get3A_592 = arith.index_cast %get3A_591 : i32 to index
      %get3A_593 = arith.index_cast %mul3A_12 : i32 to index
      %get3A_594 = tpu.vector_load %arg8[%get3A_592, %get3A_593] {strides = array<i32>} : memref<32x512xf32, #tpu.memory_space<vmem>>, vector<16xf32>,
      %get3A_595 = arith.constant 4 : i32
      %get3A_596 = arith.index_cast %get3A_595 : i32 to index
      %get3A_597 = arith.constant 0 : index
      %get3A_598 = tpu.vector_load %arg11[%get3A_596, %get3A_597] {strides = array<i32>} : memref<32x16xf32, #tpu.memory_space<vmem>>, vector<16xf32>,
      %add3A_599 = arith.addf %gather3A_590, %get3A_598 : vector<16xf32>
      %mul3A_600 = arith.mulf %get3A_594, %add3A_599 : vector<16xf32>
      %add3A_601 = arith.addf %add3A_587, %mul3A_600 : vector<16xf32>
      %broadcast_in_dim3A_602 = arith.constant 5 : i32
      %broadcast_in_dim3A_603 = vector.broadcast %broadcast_in_dim3A_602 : i32 to vector<16xi32>
      %gather3A_604 = tpu.vector_load_idx %arg9[%iota3A, %broadcast_in_dim3A_603, %sub3A_40] : memref<16x32x128xf32, #tpu.memory_space<vmem>>[vector<16xi32>, vector<16xi32>, vector<16xi32>], vector<16xf32>,
      %get3A_605 = arith.constant 5 : i32
      %get3A_606 = arith.index_cast %get3A_605 : i32 to index
      %get3A_607 = arith.index_cast %mul3A_12 : i32 to index
      %get3A_608 = tpu.vector_load %arg8[%get3A_606, %get3A_607] {strides = array<i32>} : memref<32x512xf32, #tpu.memory_space<vmem>>, vector<16xf32>,
      %get3A_609 = arith.constant 5 : i32
      %get3A_610 = arith.index_cast %get3A_609 : i32 to index
      %get3A_611 = arith.constant 0 : index
      %get3A_612 = tpu.vector_load %arg11[%get3A_610, %get3A_611] {strides = array<i32>} : memref<32x16xf32, #tpu.memory_space<vmem>>, vector<16xf32>,
      %add3A_613 = arith.addf %gather3A_604, %get3A_612 : vector<16xf32>
      %mul3A_614 = arith.mulf %get3A_608, %add3A_613 : vector<16xf32>
      %add3A_615 = arith.addf %add3A_601, %mul3A_614 : vector<16xf32>
      %broadcast_in_dim3A_616 = arith.constant 6 : i32
      %broadcast_in_dim3A_617 = vector.broadcast %broadcast_in_dim3A_616 : i32 to vector<16xi32>
      %gather3A_618 = tpu.vector_load_idx %arg9[%iota3A, %broadcast_in_dim3A_617, %sub3A_40] : memref<16x32x128xf32, #tpu.memory_space<vmem>>[vector<16xi32>, vector<16xi32>, vector<16xi32>], vector<16xf32>,
      %get3A_619 = arith.constant 6 : i32
      %get3A_620 = arith.index_cast %get3A_619 : i32 to index
      %get3A_621 = arith.index_cast %mul3A_12 : i32 to index
      %get3A_622 = tpu.vector_load %arg8[%get3A_620, %get3A_621] {strides = array<i32>} : memref<32x512xf32, #tpu.memory_space<vmem>>, vector<16xf32>,
      %get3A_623 = arith.constant 6 : i32
      %get3A_624 = arith.index_cast %get3A_623 : i32 to index
      %get3A_625 = arith.constant 0 : index
      %get3A_626 = tpu.vector_load %arg11[%get3A_624, %get3A_625] {strides = array<i32>} : memref<32x16xf32, #tpu.memory_space<vmem>>, vector<16xf32>,
      %add3A_627 = arith.addf %gather3A_618, %get3A_626 : vector<16xf32>
      %mul3A_628 = arith.mulf %get3A_622, %add3A_627 : vector<16xf32>
      %add3A_629 = arith.addf %add3A_615, %mul3A_628 : vector<16xf32>
      %broadcast_in_dim3A_630 = arith.constant 7 : i32
      %broadcast_in_dim3A_631 = vector.broadcast %broadcast_in_dim3A_630 : i32 to vector<16xi32>
      %gather3A_632 = tpu.vector_load_idx %arg9[%iota3A, %broadcast_in_dim3A_631, %sub3A_40] : memref<16x32x128xf32, #tpu.memory_space<vmem>>[vector<16xi32>, vector<16xi32>, vector<16xi32>], vector<16xf32>,
      %get3A_633 = arith.constant 7 : i32
      %get3A_634 = arith.index_cast %get3A_633 : i32 to index
      %get3A_635 = arith.index_cast %mul3A_12 : i32 to index
      %get3A_636 = tpu.vector_load %arg8[%get3A_634, %get3A_635] {strides = array<i32>} : memref<32x512xf32, #tpu.memory_space<vmem>>, vector<16xf32>,
      %get3A_637 = arith.constant 7 : i32
      %get3A_638 = arith.index_cast %get3A_637 : i32 to index
      %get3A_639 = arith.constant 0 : index
      %get3A_640 = tpu.vector_load %arg11[%get3A_638, %get3A_639] {strides = array<i32>} : memref<32x16xf32, #tpu.memory_space<vmem>>, vector<16xf32>,
      %add3A_641 = arith.addf %gather3A_632, %get3A_640 : vector<16xf32>
      %mul3A_642 = arith.mulf %get3A_636, %add3A_641 : vector<16xf32>
      %add3A_643 = arith.addf %add3A_629, %mul3A_642 : vector<16xf32>
      %broadcast_in_dim3A_644 = arith.constant 8 : i32
      %broadcast_in_dim3A_645 = vector.broadcast %broadcast_in_dim3A_644 : i32 to vector<16xi32>
      %gather3A_646 = tpu.vector_load_idx %arg9[%iota3A, %broadcast_in_dim3A_645, %sub3A_40] : memref<16x32x128xf32, #tpu.memory_space<vmem>>[vector<16xi32>, vector<16xi32>, vector<16xi32>], vector<16xf32>,
      %get3A_647 = arith.constant 8 : i32
      %get3A_648 = arith.index_cast %get3A_647 : i32 to index
      %get3A_649 = arith.index_cast %mul3A_12 : i32 to index
      %get3A_650 = tpu.vector_load %arg8[%get3A_648, %get3A_649] {strides = array<i32>} : memref<32x512xf32, #tpu.memory_space<vmem>>, vector<16xf32>,
      %get3A_651 = arith.constant 8 : i32
      %get3A_652 = arith.index_cast %get3A_651 : i32 to index
      %get3A_653 = arith.constant 0 : index
      %get3A_654 = tpu.vector_load %arg11[%get3A_652, %get3A_653] {strides = array<i32>} : memref<32x16xf32, #tpu.memory_space<vmem>>, vector<16xf32>,
      %add3A_655 = arith.addf %gather3A_646, %get3A_654 : vector<16xf32>
      %mul3A_656 = arith.mulf %get3A_650, %add3A_655 : vector<16xf32>
      %add3A_657 = arith.addf %add3A_643, %mul3A_656 : vector<16xf32>
      %broadcast_in_dim3A_658 = arith.constant 9 : i32
      %broadcast_in_dim3A_659 = vector.broadcast %broadcast_in_dim3A_658 : i32 to vector<16xi32>
      %gather3A_660 = tpu.vector_load_idx %arg9[%iota3A, %broadcast_in_dim3A_659, %sub3A_40] : memref<16x32x128xf32, #tpu.memory_space<vmem>>[vector<16xi32>, vector<16xi32>, vector<16xi32>], vector<16xf32>,
      %get3A_661 = arith.constant 9 : i32
      %get3A_662 = arith.index_cast %get3A_661 : i32 to index
      %get3A_663 = arith.index_cast %mul3A_12 : i32 to index
      %get3A_664 = tpu.vector_load %arg8[%get3A_662, %get3A_663] {strides = array<i32>} : memref<32x512xf32, #tpu.memory_space<vmem>>, vector<16xf32>,
      %get3A_665 = arith.constant 9 : i32
      %get3A_666 = arith.index_cast %get3A_665 : i32 to index
      %get3A_667 = arith.constant 0 : index
      %get3A_668 = tpu.vector_load %arg11[%get3A_666, %get3A_667] {strides = array<i32>} : memref<32x16xf32, #tpu.memory_space<vmem>>, vector<16xf32>,
      %add3A_669 = arith.addf %gather3A_660, %get3A_668 : vector<16xf32>
      %mul3A_670 = arith.mulf %get3A_664, %add3A_669 : vector<16xf32>
      %add3A_671 = arith.addf %add3A_657, %mul3A_670 : vector<16xf32>
      %broadcast_in_dim3A_672 = arith.constant 10 : i32
      %broadcast_in_dim3A_673 = vector.broadcast %broadcast_in_dim3A_672 : i32 to vector<16xi32>
      %gather3A_674 = tpu.vector_load_idx %arg9[%iota3A, %broadcast_in_dim3A_673, %sub3A_40] : memref<16x32x128xf32, #tpu.memory_space<vmem>>[vector<16xi32>, vector<16xi32>, vector<16xi32>], vector<16xf32>,
      %get3A_675 = arith.constant 10 : i32
      %get3A_676 = arith.index_cast %get3A_675 : i32 to index
      %get3A_677 = arith.index_cast %mul3A_12 : i32 to index
      %get3A_678 = tpu.vector_load %arg8[%get3A_676, %get3A_677] {strides = array<i32>} : memref<32x512xf32, #tpu.memory_space<vmem>>, vector<16xf32>,
      %get3A_679 = arith.constant 10 : i32
      %get3A_680 = arith.index_cast %get3A_679 : i32 to index
      %get3A_681 = arith.constant 0 : index
      %get3A_682 = tpu.vector_load %arg11[%get3A_680, %get3A_681] {strides = array<i32>} : memref<32x16xf32, #tpu.memory_space<vmem>>, vector<16xf32>,
      %add3A_683 = arith.addf %gather3A_674, %get3A_682 : vector<16xf32>
      %mul3A_684 = arith.mulf %get3A_678, %add3A_683 : vector<16xf32>
      %add3A_685 = arith.addf %add3A_671, %mul3A_684 : vector<16xf32>
      %broadcast_in_dim3A_686 = arith.constant 11 : i32
      %broadcast_in_dim3A_687 = vector.broadcast %broadcast_in_dim3A_686 : i32 to vector<16xi32>
      %gather3A_688 = tpu.vector_load_idx %arg9[%iota3A, %broadcast_in_dim3A_687, %sub3A_40] : memref<16x32x128xf32, #tpu.memory_space<vmem>>[vector<16xi32>, vector<16xi32>, vector<16xi32>], vector<16xf32>,
      %get3A_689 = arith.constant 11 : i32
      %get3A_690 = arith.index_cast %get3A_689 : i32 to index
      %get3A_691 = arith.index_cast %mul3A_12 : i32 to index
      %get3A_692 = tpu.vector_load %arg8[%get3A_690, %get3A_691] {strides = array<i32>} : memref<32x512xf32, #tpu.memory_space<vmem>>, vector<16xf32>,
      %get3A_693 = arith.constant 11 : i32
      %get3A_694 = arith.index_cast %get3A_693 : i32 to index
      %get3A_695 = arith.constant 0 : index
      %get3A_696 = tpu.vector_load %arg11[%get3A_694, %get3A_695] {strides = array<i32>} : memref<32x16xf32, #tpu.memory_space<vmem>>, vector<16xf32>,
      %add3A_697 = arith.addf %gather3A_688, %get3A_696 : vector<16xf32>
      %mul3A_698 = arith.mulf %get3A_692, %add3A_697 : vector<16xf32>
      %add3A_699 = arith.addf %add3A_685, %mul3A_698 : vector<16xf32>
      %broadcast_in_dim3A_700 = arith.constant 12 : i32
      %broadcast_in_dim3A_701 = vector.broadcast %broadcast_in_dim3A_700 : i32 to vector<16xi32>
      %gather3A_702 = tpu.vector_load_idx %arg9[%iota3A, %broadcast_in_dim3A_701, %sub3A_40] : memref<16x32x128xf32, #tpu.memory_space<vmem>>[vector<16xi32>, vector<16xi32>, vector<16xi32>], vector<16xf32>,
      %get3A_703 = arith.constant 12 : i32
      %get3A_704 = arith.index_cast %get3A_703 : i32 to index
      %get3A_705 = arith.index_cast %mul3A_12 : i32 to index
      %get3A_706 = tpu.vector_load %arg8[%get3A_704, %get3A_705] {strides = array<i32>} : memref<32x512xf32, #tpu.memory_space<vmem>>, vector<16xf32>,
      %get3A_707 = arith.constant 12 : i32
      %get3A_708 = arith.index_cast %get3A_707 : i32 to index
      %get3A_709 = arith.constant 0 : index
      %get3A_710 = tpu.vector_load %arg11[%get3A_708, %get3A_709] {strides = array<i32>} : memref<32x16xf32, #tpu.memory_space<vmem>>, vector<16xf32>,
      %add3A_711 = arith.addf %gather3A_702, %get3A_710 : vector<16xf32>
      %mul3A_712 = arith.mulf %get3A_706, %add3A_711 : vector<16xf32>
      %add3A_713 = arith.addf %add3A_699, %mul3A_712 : vector<16xf32>
      %broadcast_in_dim3A_714 = arith.constant 13 : i32
      %broadcast_in_dim3A_715 = vector.broadcast %broadcast_in_dim3A_714 : i32 to vector<16xi32>
      %gather3A_716 = tpu.vector_load_idx %arg9[%iota3A, %broadcast_in_dim3A_715, %sub3A_40] : memref<16x32x128xf32, #tpu.memory_space<vmem>>[vector<16xi32>, vector<16xi32>, vector<16xi32>], vector<16xf32>,
      %get3A_717 = arith.constant 13 : i32
      %get3A_718 = arith.index_cast %get3A_717 : i32 to index
      %get3A_719 = arith.index_cast %mul3A_12 : i32 to index
      %get3A_720 = tpu.vector_load %arg8[%get3A_718, %get3A_719] {strides = array<i32>} : memref<32x512xf32, #tpu.memory_space<vmem>>, vector<16xf32>,
      %get3A_721 = arith.constant 13 : i32
      %get3A_722 = arith.index_cast %get3A_721 : i32 to index
      %get3A_723 = arith.constant 0 : index
      %get3A_724 = tpu.vector_load %arg11[%get3A_722, %get3A_723] {strides = array<i32>} : memref<32x16xf32, #tpu.memory_space<vmem>>, vector<16xf32>,
      %add3A_725 = arith.addf %gather3A_716, %get3A_724 : vector<16xf32>
      %mul3A_726 = arith.mulf %get3A_720, %add3A_725 : vector<16xf32>
      %add3A_727 = arith.addf %add3A_713, %mul3A_726 : vector<16xf32>
      %broadcast_in_dim3A_728 = arith.constant 14 : i32
      %broadcast_in_dim3A_729 = vector.broadcast %broadcast_in_dim3A_728 : i32 to vector<16xi32>
      %gather3A_730 = tpu.vector_load_idx %arg9[%iota3A, %broadcast_in_dim3A_729, %sub3A_40] : memref<16x32x128xf32, #tpu.memory_space<vmem>>[vector<16xi32>, vector<16xi32>, vector<16xi32>], vector<16xf32>,
      %get3A_731 = arith.constant 14 : i32
      %get3A_732 = arith.index_cast %get3A_731 : i32 to index
      %get3A_733 = arith.index_cast %mul3A_12 : i32 to index
      %get3A_734 = tpu.vector_load %arg8[%get3A_732, %get3A_733] {strides = array<i32>} : memref<32x512xf32, #tpu.memory_space<vmem>>, vector<16xf32>,
      %get3A_735 = arith.constant 14 : i32
      %get3A_736 = arith.index_cast %get3A_735 : i32 to index
      %get3A_737 = arith.constant 0 : index
      %get3A_738 = tpu.vector_load %arg11[%get3A_736, %get3A_737] {strides = array<i32>} : memref<32x16xf32, #tpu.memory_space<vmem>>, vector<16xf32>,
      %add3A_739 = arith.addf %gather3A_730, %get3A_738 : vector<16xf32>
      %mul3A_740 = arith.mulf %get3A_734, %add3A_739 : vector<16xf32>
      %add3A_741 = arith.addf %add3A_727, %mul3A_740 : vector<16xf32>
      %broadcast_in_dim3A_742 = arith.constant 15 : i32
      %broadcast_in_dim3A_743 = vector.broadcast %broadcast_in_dim3A_742 : i32 to vector<16xi32>
      %gather3A_744 = tpu.vector_load_idx %arg9[%iota3A, %broadcast_in_dim3A_743, %sub3A_40] : memref<16x32x128xf32, #tpu.memory_space<vmem>>[vector<16xi32>, vector<16xi32>, vector<16xi32>], vector<16xf32>,
      %get3A_745 = arith.constant 15 : i32
      %get3A_746 = arith.index_cast %get3A_745 : i32 to index
      %get3A_747 = arith.index_cast %mul3A_12 : i32 to index
      %get3A_748 = tpu.vector_load %arg8[%get3A_746, %get3A_747] {strides = array<i32>} : memref<32x512xf32, #tpu.memory_space<vmem>>, vector<16xf32>,
      %get3A_749 = arith.constant 15 : i32
      %get3A_750 = arith.index_cast %get3A_749 : i32 to index
      %get3A_751 = arith.constant 0 : index
      %get3A_752 = tpu.vector_load %arg11[%get3A_750, %get3A_751] {strides = array<i32>} : memref<32x16xf32, #tpu.memory_space<vmem>>, vector<16xf32>,
      %add3A_753 = arith.addf %gather3A_744, %get3A_752 : vector<16xf32>
      %mul3A_754 = arith.mulf %get3A_748, %add3A_753 : vector<16xf32>
      %add3A_755 = arith.addf %add3A_741, %mul3A_754 : vector<16xf32>
      %broadcast_in_dim3A_756 = arith.constant 16 : i32
      %broadcast_in_dim3A_757 = vector.broadcast %broadcast_in_dim3A_756 : i32 to vector<16xi32>
      %gather3A_758 = tpu.vector_load_idx %arg9[%iota3A, %broadcast_in_dim3A_757, %sub3A_40] : memref<16x32x128xf32, #tpu.memory_space<vmem>>[vector<16xi32>, vector<16xi32>, vector<16xi32>], vector<16xf32>,
      %get3A_759 = arith.constant 16 : i32
      %get3A_760 = arith.index_cast %get3A_759 : i32 to index
      %get3A_761 = arith.index_cast %mul3A_12 : i32 to index
      %get3A_762 = tpu.vector_load %arg8[%get3A_760, %get3A_761] {strides = array<i32>} : memref<32x512xf32, #tpu.memory_space<vmem>>, vector<16xf32>,
      %get3A_763 = arith.constant 16 : i32
      %get3A_764 = arith.index_cast %get3A_763 : i32 to index
      %get3A_765 = arith.constant 0 : index
      %get3A_766 = tpu.vector_load %arg11[%get3A_764, %get3A_765] {strides = array<i32>} : memref<32x16xf32, #tpu.memory_space<vmem>>, vector<16xf32>,
      %add3A_767 = arith.addf %gather3A_758, %get3A_766 : vector<16xf32>
      %mul3A_768 = arith.mulf %get3A_762, %add3A_767 : vector<16xf32>
      %add3A_769 = arith.addf %add3A_755, %mul3A_768 : vector<16xf32>
      %broadcast_in_dim3A_770 = arith.constant 17 : i32
      %broadcast_in_dim3A_771 = vector.broadcast %broadcast_in_dim3A_770 : i32 to vector<16xi32>
      %gather3A_772 = tpu.vector_load_idx %arg9[%iota3A, %broadcast_in_dim3A_771, %sub3A_40] : memref<16x32x128xf32, #tpu.memory_space<vmem>>[vector<16xi32>, vector<16xi32>, vector<16xi32>], vector<16xf32>,
      %get3A_773 = arith.constant 17 : i32
      %get3A_774 = arith.index_cast %get3A_773 : i32 to index
      %get3A_775 = arith.index_cast %mul3A_12 : i32 to index
      %get3A_776 = tpu.vector_load %arg8[%get3A_774, %get3A_775] {strides = array<i32>} : memref<32x512xf32, #tpu.memory_space<vmem>>, vector<16xf32>,
      %get3A_777 = arith.constant 17 : i32
      %get3A_778 = arith.index_cast %get3A_777 : i32 to index
      %get3A_779 = arith.constant 0 : index
      %get3A_780 = tpu.vector_load %arg11[%get3A_778, %get3A_779] {strides = array<i32>} : memref<32x16xf32, #tpu.memory_space<vmem>>, vector<16xf32>,
      %add3A_781 = arith.addf %gather3A_772, %get3A_780 : vector<16xf32>
      %mul3A_782 = arith.mulf %get3A_776, %add3A_781 : vector<16xf32>
      %add3A_783 = arith.addf %add3A_769, %mul3A_782 : vector<16xf32>
      %broadcast_in_dim3A_784 = arith.constant 18 : i32
      %broadcast_in_dim3A_785 = vector.broadcast %broadcast_in_dim3A_784 : i32 to vector<16xi32>
      %gather3A_786 = tpu.vector_load_idx %arg9[%iota3A, %broadcast_in_dim3A_785, %sub3A_40] : memref<16x32x128xf32, #tpu.memory_space<vmem>>[vector<16xi32>, vector<16xi32>, vector<16xi32>], vector<16xf32>,
      %get3A_787 = arith.constant 18 : i32
      %get3A_788 = arith.index_cast %get3A_787 : i32 to index
      %get3A_789 = arith.index_cast %mul3A_12 : i32 to index
      %get3A_790 = tpu.vector_load %arg8[%get3A_788, %get3A_789] {strides = array<i32>} : memref<32x512xf32, #tpu.memory_space<vmem>>, vector<16xf32>,
      %get3A_791 = arith.constant 18 : i32
      %get3A_792 = arith.index_cast %get3A_791 : i32 to index
      %get3A_793 = arith.constant 0 : index
      %get3A_794 = tpu.vector_load %arg11[%get3A_792, %get3A_793] {strides = array<i32>} : memref<32x16xf32, #tpu.memory_space<vmem>>, vector<16xf32>,
      %add3A_795 = arith.addf %gather3A_786, %get3A_794 : vector<16xf32>
      %mul3A_796 = arith.mulf %get3A_790, %add3A_795 : vector<16xf32>
      %add3A_797 = arith.addf %add3A_783, %mul3A_796 : vector<16xf32>
      %broadcast_in_dim3A_798 = arith.constant 19 : i32
      %broadcast_in_dim3A_799 = vector.broadcast %broadcast_in_dim3A_798 : i32 to vector<16xi32>
      %gather3A_800 = tpu.vector_load_idx %arg9[%iota3A, %broadcast_in_dim3A_799, %sub3A_40] : memref<16x32x128xf32, #tpu.memory_space<vmem>>[vector<16xi32>, vector<16xi32>, vector<16xi32>], vector<16xf32>,
      %get3A_801 = arith.constant 19 : i32
      %get3A_802 = arith.index_cast %get3A_801 : i32 to index
      %get3A_803 = arith.index_cast %mul3A_12 : i32 to index
      %get3A_804 = tpu.vector_load %arg8[%get3A_802, %get3A_803] {strides = array<i32>} : memref<32x512xf32, #tpu.memory_space<vmem>>, vector<16xf32>,
      %get3A_805 = arith.constant 19 : i32
      %get3A_806 = arith.index_cast %get3A_805 : i32 to index
      %get3A_807 = arith.constant 0 : index
      %get3A_808 = tpu.vector_load %arg11[%get3A_806, %get3A_807] {strides = array<i32>} : memref<32x16xf32, #tpu.memory_space<vmem>>, vector<16xf32>,
      %add3A_809 = arith.addf %gather3A_800, %get3A_808 : vector<16xf32>
      %mul3A_810 = arith.mulf %get3A_804, %add3A_809 : vector<16xf32>
      %add3A_811 = arith.addf %add3A_797, %mul3A_810 : vector<16xf32>
      %broadcast_in_dim3A_812 = arith.constant 20 : i32
      %broadcast_in_dim3A_813 = vector.broadcast %broadcast_in_dim3A_812 : i32 to vector<16xi32>
      %gather3A_814 = tpu.vector_load_idx %arg9[%iota3A, %broadcast_in_dim3A_813, %sub3A_40] : memref<16x32x128xf32, #tpu.memory_space<vmem>>[vector<16xi32>, vector<16xi32>, vector<16xi32>], vector<16xf32>,
      %get3A_815 = arith.constant 20 : i32
      %get3A_816 = arith.index_cast %get3A_815 : i32 to index
      %get3A_817 = arith.index_cast %mul3A_12 : i32 to index
      %get3A_818 = tpu.vector_load %arg8[%get3A_816, %get3A_817] {strides = array<i32>} : memref<32x512xf32, #tpu.memory_space<vmem>>, vector<16xf32>,
      %get3A_819 = arith.constant 20 : i32
      %get3A_820 = arith.index_cast %get3A_819 : i32 to index
      %get3A_821 = arith.constant 0 : index
      %get3A_822 = tpu.vector_load %arg11[%get3A_820, %get3A_821] {strides = array<i32>} : memref<32x16xf32, #tpu.memory_space<vmem>>, vector<16xf32>,
      %add3A_823 = arith.addf %gather3A_814, %get3A_822 : vector<16xf32>
      %mul3A_824 = arith.mulf %get3A_818, %add3A_823 : vector<16xf32>
      %add3A_825 = arith.addf %add3A_811, %mul3A_824 : vector<16xf32>
      %broadcast_in_dim3A_826 = arith.constant 21 : i32
      %broadcast_in_dim3A_827 = vector.broadcast %broadcast_in_dim3A_826 : i32 to vector<16xi32>
      %gather3A_828 = tpu.vector_load_idx %arg9[%iota3A, %broadcast_in_dim3A_827, %sub3A_40] : memref<16x32x128xf32, #tpu.memory_space<vmem>>[vector<16xi32>, vector<16xi32>, vector<16xi32>], vector<16xf32>,
      %get3A_829 = arith.constant 21 : i32
      %get3A_830 = arith.index_cast %get3A_829 : i32 to index
      %get3A_831 = arith.index_cast %mul3A_12 : i32 to index
      %get3A_832 = tpu.vector_load %arg8[%get3A_830, %get3A_831] {strides = array<i32>} : memref<32x512xf32, #tpu.memory_space<vmem>>, vector<16xf32>,
      %get3A_833 = arith.constant 21 : i32
      %get3A_834 = arith.index_cast %get3A_833 : i32 to index
      %get3A_835 = arith.constant 0 : index
      %get3A_836 = tpu.vector_load %arg11[%get3A_834, %get3A_835] {strides = array<i32>} : memref<32x16xf32, #tpu.memory_space<vmem>>, vector<16xf32>,
      %add3A_837 = arith.addf %gather3A_828, %get3A_836 : vector<16xf32>
      %mul3A_838 = arith.mulf %get3A_832, %add3A_837 : vector<16xf32>
      %add3A_839 = arith.addf %add3A_825, %mul3A_838 : vector<16xf32>
      %broadcast_in_dim3A_840 = arith.constant 22 : i32
      %broadcast_in_dim3A_841 = vector.broadcast %broadcast_in_dim3A_840 : i32 to vector<16xi32>
      %gather3A_842 = tpu.vector_load_idx %arg9[%iota3A, %broadcast_in_dim3A_841, %sub3A_40] : memref<16x32x128xf32, #tpu.memory_space<vmem>>[vector<16xi32>, vector<16xi32>, vector<16xi32>], vector<16xf32>,
      %get3A_843 = arith.constant 22 : i32
      %get3A_844 = arith.index_cast %get3A_843 : i32 to index
      %get3A_845 = arith.index_cast %mul3A_12 : i32 to index
      %get3A_846 = tpu.vector_load %arg8[%get3A_844, %get3A_845] {strides = array<i32>} : memref<32x512xf32, #tpu.memory_space<vmem>>, vector<16xf32>,
      %get3A_847 = arith.constant 22 : i32
      %get3A_848 = arith.index_cast %get3A_847 : i32 to index
      %get3A_849 = arith.constant 0 : index
      %get3A_850 = tpu.vector_load %arg11[%get3A_848, %get3A_849] {strides = array<i32>} : memref<32x16xf32, #tpu.memory_space<vmem>>, vector<16xf32>,
      %add3A_851 = arith.addf %gather3A_842, %get3A_850 : vector<16xf32>
      %mul3A_852 = arith.mulf %get3A_846, %add3A_851 : vector<16xf32>
      %add3A_853 = arith.addf %add3A_839, %mul3A_852 : vector<16xf32>
      %broadcast_in_dim3A_854 = arith.constant 23 : i32
      %broadcast_in_dim3A_855 = vector.broadcast %broadcast_in_dim3A_854 : i32 to vector<16xi32>
      %gather3A_856 = tpu.vector_load_idx %arg9[%iota3A, %broadcast_in_dim3A_855, %sub3A_40] : memref<16x32x128xf32, #tpu.memory_space<vmem>>[vector<16xi32>, vector<16xi32>, vector<16xi32>], vector<16xf32>,
      %get3A_857 = arith.constant 23 : i32
      %get3A_858 = arith.index_cast %get3A_857 : i32 to index
      %get3A_859 = arith.index_cast %mul3A_12 : i32 to index
      %get3A_860 = tpu.vector_load %arg8[%get3A_858, %get3A_859] {strides = array<i32>} : memref<32x512xf32, #tpu.memory_space<vmem>>, vector<16xf32>,
      %get3A_861 = arith.constant 23 : i32
      %get3A_862 = arith.index_cast %get3A_861 : i32 to index
      %get3A_863 = arith.constant 0 : index
      %get3A_864 = tpu.vector_load %arg11[%get3A_862, %get3A_863] {strides = array<i32>} : memref<32x16xf32, #tpu.memory_space<vmem>>, vector<16xf32>,
      %add3A_865 = arith.addf %gather3A_856, %get3A_864 : vector<16xf32>
      %mul3A_866 = arith.mulf %get3A_860, %add3A_865 : vector<16xf32>
      %add3A_867 = arith.addf %add3A_853, %mul3A_866 : vector<16xf32>
      %broadcast_in_dim3A_868 = arith.constant 24 : i32
      %broadcast_in_dim3A_869 = vector.broadcast %broadcast_in_dim3A_868 : i32 to vector<16xi32>
      %gather3A_870 = tpu.vector_load_idx %arg9[%iota3A, %broadcast_in_dim3A_869, %sub3A_40] : memref<16x32x128xf32, #tpu.memory_space<vmem>>[vector<16xi32>, vector<16xi32>, vector<16xi32>], vector<16xf32>,
      %get3A_871 = arith.constant 24 : i32
      %get3A_872 = arith.index_cast %get3A_871 : i32 to index
      %get3A_873 = arith.index_cast %mul3A_12 : i32 to index
      %get3A_874 = tpu.vector_load %arg8[%get3A_872, %get3A_873] {strides = array<i32>} : memref<32x512xf32, #tpu.memory_space<vmem>>, vector<16xf32>,
      %get3A_875 = arith.constant 24 : i32
      %get3A_876 = arith.index_cast %get3A_875 : i32 to index
      %get3A_877 = arith.constant 0 : index
      %get3A_878 = tpu.vector_load %arg11[%get3A_876, %get3A_877] {strides = array<i32>} : memref<32x16xf32, #tpu.memory_space<vmem>>, vector<16xf32>,
      %add3A_879 = arith.addf %gather3A_870, %get3A_878 : vector<16xf32>
      %mul3A_880 = arith.mulf %get3A_874, %add3A_879 : vector<16xf32>
      %add3A_881 = arith.addf %add3A_867, %mul3A_880 : vector<16xf32>
      %broadcast_in_dim3A_882 = arith.constant 25 : i32
      %broadcast_in_dim3A_883 = vector.broadcast %broadcast_in_dim3A_882 : i32 to vector<16xi32>
      %gather3A_884 = tpu.vector_load_idx %arg9[%iota3A, %broadcast_in_dim3A_883, %sub3A_40] : memref<16x32x128xf32, #tpu.memory_space<vmem>>[vector<16xi32>, vector<16xi32>, vector<16xi32>], vector<16xf32>,
      %get3A_885 = arith.constant 25 : i32
      %get3A_886 = arith.index_cast %get3A_885 : i32 to index
      %get3A_887 = arith.index_cast %mul3A_12 : i32 to index
      %get3A_888 = tpu.vector_load %arg8[%get3A_886, %get3A_887] {strides = array<i32>} : memref<32x512xf32, #tpu.memory_space<vmem>>, vector<16xf32>,
      %get3A_889 = arith.constant 25 : i32
      %get3A_890 = arith.index_cast %get3A_889 : i32 to index
      %get3A_891 = arith.constant 0 : index
      %get3A_892 = tpu.vector_load %arg11[%get3A_890, %get3A_891] {strides = array<i32>} : memref<32x16xf32, #tpu.memory_space<vmem>>, vector<16xf32>,
      %add3A_893 = arith.addf %gather3A_884, %get3A_892 : vector<16xf32>
      %mul3A_894 = arith.mulf %get3A_888, %add3A_893 : vector<16xf32>
      %add3A_895 = arith.addf %add3A_881, %mul3A_894 : vector<16xf32>
      %broadcast_in_dim3A_896 = arith.constant 26 : i32
      %broadcast_in_dim3A_897 = vector.broadcast %broadcast_in_dim3A_896 : i32 to vector<16xi32>
      %gather3A_898 = tpu.vector_load_idx %arg9[%iota3A, %broadcast_in_dim3A_897, %sub3A_40] : memref<16x32x128xf32, #tpu.memory_space<vmem>>[vector<16xi32>, vector<16xi32>, vector<16xi32>], vector<16xf32>,
      %get3A_899 = arith.constant 26 : i32
      %get3A_900 = arith.index_cast %get3A_899 : i32 to index
      %get3A_901 = arith.index_cast %mul3A_12 : i32 to index
      %get3A_902 = tpu.vector_load %arg8[%get3A_900, %get3A_901] {strides = array<i32>} : memref<32x512xf32, #tpu.memory_space<vmem>>, vector<16xf32>,
      %get3A_903 = arith.constant 26 : i32
      %get3A_904 = arith.index_cast %get3A_903 : i32 to index
      %get3A_905 = arith.constant 0 : index
      %get3A_906 = tpu.vector_load %arg11[%get3A_904, %get3A_905] {strides = array<i32>} : memref<32x16xf32, #tpu.memory_space<vmem>>, vector<16xf32>,
      %add3A_907 = arith.addf %gather3A_898, %get3A_906 : vector<16xf32>
      %mul3A_908 = arith.mulf %get3A_902, %add3A_907 : vector<16xf32>
      %add3A_909 = arith.addf %add3A_895, %mul3A_908 : vector<16xf32>
      %broadcast_in_dim3A_910 = arith.constant 27 : i32
      %broadcast_in_dim3A_911 = vector.broadcast %broadcast_in_dim3A_910 : i32 to vector<16xi32>
      %gather3A_912 = tpu.vector_load_idx %arg9[%iota3A, %broadcast_in_dim3A_911, %sub3A_40] : memref<16x32x128xf32, #tpu.memory_space<vmem>>[vector<16xi32>, vector<16xi32>, vector<16xi32>], vector<16xf32>,
      %get3A_913 = arith.constant 27 : i32
      %get3A_914 = arith.index_cast %get3A_913 : i32 to index
      %get3A_915 = arith.index_cast %mul3A_12 : i32 to index
      %get3A_916 = tpu.vector_load %arg8[%get3A_914, %get3A_915] {strides = array<i32>} : memref<32x512xf32, #tpu.memory_space<vmem>>, vector<16xf32>,
      %get3A_917 = arith.constant 27 : i32
      %get3A_918 = arith.index_cast %get3A_917 : i32 to index
      %get3A_919 = arith.constant 0 : index
      %get3A_920 = tpu.vector_load %arg11[%get3A_918, %get3A_919] {strides = array<i32>} : memref<32x16xf32, #tpu.memory_space<vmem>>, vector<16xf32>,
      %add3A_921 = arith.addf %gather3A_912, %get3A_920 : vector<16xf32>
      %mul3A_922 = arith.mulf %get3A_916, %add3A_921 : vector<16xf32>
      %add3A_923 = arith.addf %add3A_909, %mul3A_922 : vector<16xf32>
      %broadcast_in_dim3A_924 = arith.constant 28 : i32
      %broadcast_in_dim3A_925 = vector.broadcast %broadcast_in_dim3A_924 : i32 to vector<16xi32>
      %gather3A_926 = tpu.vector_load_idx %arg9[%iota3A, %broadcast_in_dim3A_925, %sub3A_40] : memref<16x32x128xf32, #tpu.memory_space<vmem>>[vector<16xi32>, vector<16xi32>, vector<16xi32>], vector<16xf32>,
      %get3A_927 = arith.constant 28 : i32
      %get3A_928 = arith.index_cast %get3A_927 : i32 to index
      %get3A_929 = arith.index_cast %mul3A_12 : i32 to index
      %get3A_930 = tpu.vector_load %arg8[%get3A_928, %get3A_929] {strides = array<i32>} : memref<32x512xf32, #tpu.memory_space<vmem>>, vector<16xf32>,
      %get3A_931 = arith.constant 28 : i32
      %get3A_932 = arith.index_cast %get3A_931 : i32 to index
      %get3A_933 = arith.constant 0 : index
      %get3A_934 = tpu.vector_load %arg11[%get3A_932, %get3A_933] {strides = array<i32>} : memref<32x16xf32, #tpu.memory_space<vmem>>, vector<16xf32>,
      %add3A_935 = arith.addf %gather3A_926, %get3A_934 : vector<16xf32>
      %mul3A_936 = arith.mulf %get3A_930, %add3A_935 : vector<16xf32>
      %add3A_937 = arith.addf %add3A_923, %mul3A_936 : vector<16xf32>
      %broadcast_in_dim3A_938 = arith.constant 29 : i32
      %broadcast_in_dim3A_939 = vector.broadcast %broadcast_in_dim3A_938 : i32 to vector<16xi32>
      %gather3A_940 = tpu.vector_load_idx %arg9[%iota3A, %broadcast_in_dim3A_939, %sub3A_40] : memref<16x32x128xf32, #tpu.memory_space<vmem>>[vector<16xi32>, vector<16xi32>, vector<16xi32>], vector<16xf32>,
      %get3A_941 = arith.constant 29 : i32
      %get3A_942 = arith.index_cast %get3A_941 : i32 to index
      %get3A_943 = arith.index_cast %mul3A_12 : i32 to index
      %get3A_944 = tpu.vector_load %arg8[%get3A_942, %get3A_943] {strides = array<i32>} : memref<32x512xf32, #tpu.memory_space<vmem>>, vector<16xf32>,
      %get3A_945 = arith.constant 29 : i32
      %get3A_946 = arith.index_cast %get3A_945 : i32 to index
      %get3A_947 = arith.constant 0 : index
      %get3A_948 = tpu.vector_load %arg11[%get3A_946, %get3A_947] {strides = array<i32>} : memref<32x16xf32, #tpu.memory_space<vmem>>, vector<16xf32>,
      %add3A_949 = arith.addf %gather3A_940, %get3A_948 : vector<16xf32>
      %mul3A_950 = arith.mulf %get3A_944, %add3A_949 : vector<16xf32>
      %add3A_951 = arith.addf %add3A_937, %mul3A_950 : vector<16xf32>
      %broadcast_in_dim3A_952 = arith.constant 30 : i32
      %broadcast_in_dim3A_953 = vector.broadcast %broadcast_in_dim3A_952 : i32 to vector<16xi32>
      %gather3A_954 = tpu.vector_load_idx %arg9[%iota3A, %broadcast_in_dim3A_953, %sub3A_40] : memref<16x32x128xf32, #tpu.memory_space<vmem>>[vector<16xi32>, vector<16xi32>, vector<16xi32>], vector<16xf32>,
      %get3A_955 = arith.constant 30 : i32
      %get3A_956 = arith.index_cast %get3A_955 : i32 to index
      %get3A_957 = arith.index_cast %mul3A_12 : i32 to index
      %get3A_958 = tpu.vector_load %arg8[%get3A_956, %get3A_957] {strides = array<i32>} : memref<32x512xf32, #tpu.memory_space<vmem>>, vector<16xf32>,
      %get3A_959 = arith.constant 30 : i32
      %get3A_960 = arith.index_cast %get3A_959 : i32 to index
      %get3A_961 = arith.constant 0 : index
      %get3A_962 = tpu.vector_load %arg11[%get3A_960, %get3A_961] {strides = array<i32>} : memref<32x16xf32, #tpu.memory_space<vmem>>, vector<16xf32>,
      %add3A_963 = arith.addf %gather3A_954, %get3A_962 : vector<16xf32>
      %mul3A_964 = arith.mulf %get3A_958, %add3A_963 : vector<16xf32>
      %add3A_965 = arith.addf %add3A_951, %mul3A_964 : vector<16xf32>
      %broadcast_in_dim3A_966 = arith.constant 31 : i32
      %broadcast_in_dim3A_967 = vector.broadcast %broadcast_in_dim3A_966 : i32 to vector<16xi32>
      %gather3A_968 = tpu.vector_load_idx %arg9[%iota3A, %broadcast_in_dim3A_967, %sub3A_40] : memref<16x32x128xf32, #tpu.memory_space<vmem>>[vector<16xi32>, vector<16xi32>, vector<16xi32>], vector<16xf32>,
      %get3A_969 = arith.constant 31 : i32
      %get3A_970 = arith.index_cast %get3A_969 : i32 to index
      %get3A_971 = arith.index_cast %mul3A_12 : i32 to index
      %get3A_972 = tpu.vector_load %arg8[%get3A_970, %get3A_971] {strides = array<i32>} : memref<32x512xf32, #tpu.memory_space<vmem>>, vector<16xf32>,
      %get3A_973 = arith.constant 31 : i32
      %get3A_974 = arith.index_cast %get3A_973 : i32 to index
      %get3A_975 = arith.constant 0 : index
      %get3A_976 = tpu.vector_load %arg11[%get3A_974, %get3A_975] {strides = array<i32>} : memref<32x16xf32, #tpu.memory_space<vmem>>, vector<16xf32>,
      %add3A_977 = arith.addf %gather3A_968, %get3A_976 : vector<16xf32>
      %mul3A_978 = arith.mulf %get3A_972, %add3A_977 : vector<16xf32>
      %add3A_979 = arith.addf %add3A_965, %mul3A_978 : vector<16xf32>
      %swap3A = arith.index_cast %mul3A_12 : i32 to index
      %swap3A_980 = tpu.vector_load %arg10[%swap3A] {strides = array<i32>} : memref<512xf32, #tpu.memory_space<vmem>>, vector<16xf32>,
      tpu.vector_store %arg10[%swap3A], %add3A_979 {strides = array<i32>} : memref<512xf32, #tpu.memory_space<vmem>>, vector<16xf32>,
      %scan3A_981 = arith.constant 0 : i32
      scf.yield %scan3A_981 : i32
    }
    %scan3A_8 = arith.constant 32 : i32
    "tpu.region"() ({
      %run_scoped3A = tpu.sem_alloc : memref<!tpu.dma_semaphore, #tpu.memory_space<semaphore_mem>>
      %dma_start3A = tpu.memref_slice %arg6[%mul3A_2] : memref<16384xf32, #tpu.memory_space<hbm>> -> memref<512xf32, #tpu.memory_space<hbm>>
      %dma_start3A_9 = tpu.memref_slice %arg6[%mul3A_2] : memref<16384xf32, #tpu.memory_space<hbm>> -> memref<512xf32, #tpu.memory_space<hbm>>
      tpu.enqueue_dma source(%arg10 : memref<512xf32, #tpu.memory_space<vmem>>) target(%dma_start3A_9 : memref<512xf32, #tpu.memory_space<hbm>>) target_semaphore(%run_scoped3A : memref<!tpu.dma_semaphore, #tpu.memory_space<semaphore_mem>>)
      %dma_wait3A = tpu.memref_slice %arg6[%mul3A_2] : memref<16384xf32, #tpu.memory_space<hbm>> -> memref<512xf32, #tpu.memory_space<hbm>>
      %dma_wait3A_10 = tpu.memref_slice %arg6[%mul3A_2] : memref<16384xf32, #tpu.memory_space<hbm>> -> memref<512xf32, #tpu.memory_space<hbm>>
      tpu.wait_dma2 semaphore(%run_scoped3A : memref<!tpu.dma_semaphore, #tpu.memory_space<semaphore_mem>>) src(%arg10 : memref<512xf32, #tpu.memory_space<vmem>>) dst(%dma_wait3A_10 : memref<512xf32, #tpu.memory_space<hbm>>)
      tpu.yield
    }) : () -> ()
    return
  }
}

</mosaic_0001>

<sc_bundles>
// kernel: _run.3.cloned.1.call-start
scs
__scs_entry_jumppad:
0x0: {  	(pc) =	sbr.rel $0x88, $3  }
0x1: {  	(tag) =	ssettag $0x0;
	lr =	simm.s32 $0x1  }
0x2: {  	[smem:$0x3F9D] =	sst lr;
	_ =	strace $0xD0000000  }
0x3: {  	_ = 	snop  }
0x4: {  	_ = 	snop  }
0x5: {  	_ = 	snop  }
0x6: {  	_ = 	snop  }
0x7: {  	_ = 	snop  }
__scs_overlays_trampoline_lowered:
0x8: {  	[smem:$0x3FAC] =	sst s0  }
0x9: {  	[smem:$0x3FAD] =	sst s1  }
0xa: {  	[smem:$0x3FAE] =	sst s2  }
0xb: {  	[smem:$0x3FAF] =	sst s3  }
0xc: {  	[smem:$0x3FB0] =	sst s4  }
0xd: {  	[smem:$0x3FB1] =	sst s5  }
0xe: {  	[smem:$0x3FB2] =	sst s6  }
0xf: {  	[smem:$0x3FB3] =	sst s7  }
0x10: {  	[smem:$0x3FB4] =	sst s8  }
0x11: {  	[smem:$0x3FB5] =	sst s9;
	s0 =	simm.s32 @!p0 $0x0  }
0x12: {  	s1 =	sld [smem:$0x3F9B];
	s0 =	simm.s32 @p0 $0x1  }
0x13: {  	[smem:$0x3FB6] =	sst s0;
	s0 =	simm.s32 @!p1 $0x0  }
0x14: {  	s2 =	sld [smem:$0x3F9A];
	s0 =	simm.s32 @p1 $0x1  }
0x15: {  	[smem:$0x3FB7] =	sst s0;
	s0 =	simm.s32 @!p2 $0x0  }
0x16: {  	s3 =	sld [smem:$0x3FDB];
	s0 =	simm.s32 @p2 $0x1  }
0x17: {  	s4 =	simm.s32 $0x1BF5;
	[smem:$0x3FB9] =	sst s0  }
0x18: {  	s0 =	sld [smem:$0x3F9C];
	_ =	swait.ge [sflag:s4], $0x0  }
0x19: {  	s7 =	sld [smem:$0x3F9D]  }
0x1a: {  	s8 =	sadd.s32 $0xFFFFE003, lr  }
0x1b: {  	s9 =	sadd.s32 $0xFFFFFEF7, lr;
	s5 =	simm.s32 $0xFFFFFFFF;
	p2 =	slt.u32 s8, $0xFFFFF086  }
0x1c: {  	p1 =	slt.u32 s9, $0xF7A;
	s5 =	simm.s32 @!p2 $0x0  }
0x1d: {  	s5 =	simm.s32 @p1 $0x1;
	p0 =	seq.s32 s7, s2  }
0x1e: {  	s7 =	smul.u32 @!p0 $0xF7A, s2;
	p2 =	seq.s32 @!p0 s5, $0x0  }
0x1f: {  	s9 =	smul.u32 $0xF7A, s1;
	s8 =	simm.s32 @!p0 $0x1BF5;
	p2 =	por !p2, p0  }
0x20: {  	[sflag:s8] =	ssyncset.s32 @!p0 $0xFFFFF086;
	s6 =	sadd.s32 @!p0 s3, s7;
	s7 =	simm.s32 @!p0 $0x108  }
0x21: {  	s3 =	sadd.s32 s3, s9;
	s6 =	sadd.s32 @!p0 $0x88, s6;
	s7 =	simm.s32 @p2 $0x1082  }
0x22: {  	[simem:s7], [sflag:s8] =	dma.local @!p0 [hbm:s6], $0xF7A  }
0x23: {  	s9 =	sor.u32 $0xD0000000, s2;
	s6 =	simm.s32 $0x108;
	_ =	swait.ge @!p0 [sflag:s8], $0x0  }
0x24: {  	s3 =	sadd.s32 $0x88, s3;
	s6 =	simm.s32 @!p1 $0x1082;
	[sflag:s4] =	ssyncset.s32 $0xFFFFF086  }
0x25: {  	[simem:s6], [sflag:s4] =	dma.local [hbm:s3], $0xF7A  }
0x26: {  	[smem:$0x3F9D] =	sst s1;
	(tag) =	ssettag s2;
	_ =	strace s9  }
0x27: {  	s1 =	sld [smem:$0x3FAD]  }
0x28: {  	s2 =	sld [smem:$0x3FAE]  }
0x29: {  	s4 =	sld [smem:$0x3FB0]  }
0x2a: {  	p0 =	seq.s32 s5, $0x0;
	s5 =	sld [smem:$0x3FB1]  }
0x2b: {  	s6 =	sld [smem:$0x3FB2]  }
0x2c: {  	s7 =	sld [smem:$0x3FB3]  }
0x2d: {  	s3 =	simm.s32 $0x108;
	s8 =	sld [smem:$0x3FB4]  }
0x2e: {  	s3 =	simm.s32 @!p0 $0x1082;
	s9 =	sld [smem:$0x3FB5]  }
0x2f: {  	lr =	sadd.s32 s0, s3;
	s0 =	sld [smem:$0x3FAC]  }
0x30: {  	s3 =	sld [smem:$0x3FAF]  }
0x31: {  	[smem:$0x3FB8] =	sst s10  }
0x32: {  	s10 =	sld [smem:$0x3FB6];
	_ =	sdelay $0x3  }
0x33: {  	p0 =	seq.s32 s10, $0x1;
	s10 =	sld [smem:$0x3FB8];
	_ =	sdelay $0x3  }
0x34: {  	[smem:$0x3FB8] =	sst s10  }
0x35: {  	s10 =	sld [smem:$0x3FB7];
	_ =	sdelay $0x3  }
0x36: {  	p1 =	seq.s32 s10, $0x1;
	s10 =	sld [smem:$0x3FB8];
	_ =	sdelay $0x3  }
0x37: {  	[smem:$0x3FB8] =	sst s10  }
0x38: {  	s10 =	sld [smem:$0x3FB9]  }
0x39: {  	_ = 	snop;
	(pc) =	sbr.ind lr, $3  }
0x3a: {  	_ = 	snop  }
0x3b: {  	_ = 	snop  }
0x3c: {  	p2 =	seq.s32 s10, $0x1;
	s10 =	sld [smem:$0x3FB8]  }
0x3d: {  	_ =	shalt  }
0x3e: {  	_ =	shalt  }
0x3f: {  	_ =	shalt  }
0x40: {  	_ =	shalt  }
0x41: {  	_ =	shalt  }
0x42: {  	_ =	shalt  }
0x43: {  	_ =	shalt  }
0x44: {  	_ =	shalt  }
0x45: {  	_ =	shalt  }
0x46: {  	_ =	shalt  }
0x47: {  	_ =	shalt  }
0x48: {  	_ =	shalt  }
0x49: {  	_ =	shalt  }
0x4a: {  	_ =	shalt  }
0x4b: {  	_ =	shalt  }
0x4c: {  	_ =	shalt  }
0x4d: {  	_ =	shalt  }
0x4e: {  	_ =	shalt  }
0x4f: {  	_ =	shalt  }
0x50: {  	_ =	shalt  }
0x51: {  	_ =	shalt  }
0x52: {  	_ =	shalt  }
0x53: {  	_ =	shalt  }
0x54: {  	_ =	shalt  }
0x55: {  	_ =	shalt  }
0x56: {  	_ =	shalt  }
0x57: {  	_ =	shalt  }
0x58: {  	_ =	shalt  }
0x59: {  	_ =	shalt  }
0x5a: {  	_ =	shalt  }
0x5b: {  	_ =	shalt  }
0x5c: {  	_ =	shalt  }
0x5d: {  	_ =	shalt  }
0x5e: {  	_ =	shalt  }
0x5f: {  	_ =	shalt  }
0x60: {  	_ =	shalt  }
0x61: {  	_ =	shalt  }
0x62: {  	_ =	shalt  }
0x63: {  	_ =	shalt  }
0x64: {  	_ =	shalt  }
0x65: {  	_ =	shalt  }
0x66: {  	_ =	shalt  }
0x67: {  	_ =	shalt  }
0x68: {  	_ =	shalt  }
0x69: {  	_ =	shalt  }
0x6a: {  	_ =	shalt  }
0x6b: {  	_ =	shalt  }
0x6c: {  	_ =	shalt  }
0x6d: {  	_ =	shalt  }
0x6e: {  	_ =	shalt  }
0x6f: {  	_ =	shalt  }
0x70: {  	_ =	shalt  }
0x71: {  	_ =	shalt  }
0x72: {  	_ =	shalt  }
0x73: {  	_ =	shalt  }
0x74: {  	_ =	shalt  }
0x75: {  	_ =	shalt  }
0x76: {  	_ =	shalt  }
0x77: {  	_ =	shalt  }
0x78: {  	_ =	shalt  }
0x79: {  	_ =	shalt  }
0x7a: {  	_ =	shalt  }
0x7b: {  	_ =	shalt  }
0x7c: {  	_ =	shalt  }
0x7d: {  	_ =	shalt  }
0x7e: {  	_ =	shalt  }
0x7f: {  	_ =	shalt  }
0x80: {  	_ =	shalt  }
0x81: {  	_ =	shalt  }
0x82: {  	_ =	shalt  }
0x83: {  	_ =	shalt  }
0x84: {  	_ =	shalt  }
0x85: {  	_ =	shalt  }
0x86: {  	_ =	shalt  }
0x87: {  	_ =	shalt  }
.Lfunc_end0:
.L_simem_size_0:
called_computation_lowered:
.L_overlay_start_0:
0x88: {  	s2 =	sld [smem:$0x3FD9]  }
0x89: {  	s3 =	sld [smem:$0x3FFE];
	_ =	sdelay $0x1  }
0x8a: {  	s1 =	srdreg.scid  }
0x8b: {  	s0 =	sand.u32 $0x1, s1  }
0x8c: {  	s17 =	sshll.u32 s0, $0xA;
	s2 =	sadd.s32 s3, s2  }
0x8d: {  	s2 =	sadd.s32 s2, s17  }
0x8e: {  	[smem:$0x3FC4] =	sst s2  }
0x8f: {  	_ = 	snop  }
0x90: {  	s2 =	sld [smem:$0x3FC9]  }
0x91: {  	s18 =	sld [smem:$0x3FC8]  }
0x92: {  	s4 =	sld [smem:$0x3FC6]  }
0x93: {  	s5 =	sld [smem:$0x3FD0];
	(tm) =	ssettm $0x1  }
0x94: {  	s6 =	sld [smem:$0x3FFB];
	_ =	sdelay $0x3  }
0x95: {  	_ =	strace s6  }
0x96: {  	s6 =	sld [smem:$0x3FFC];
	_ =	sdelay $0x3  }
0x97: {  	_ =	strace s6  }
0x98: {  	s6 =	sld [smem:$0x3FFD];
	_ =	sdelay $0x3  }
0x99: {  	_ =	strace s6  }
0x9a: {  	_ =	strace $0x8FFFFFFF  }
0x9b: {  	s19 =	sld [smem:$0x3FDB];
	_ =	sdelay $0x1  }
0x9c: {  	s7 =	simm.s32 $_scs_section_size  }
0x9d: {  	s8 =	simm.s32 $_size__tile_overlayer_lowered;
	s9 =	simm.s32 $_tile_overlayer_lowered  }
0x9e: {  	s22 =	simm.s32 $0x1BFF;
	s21 =	sshll.u32 s9, $0x1;
	s6 =	sadd.s32 s7, s19  }
0x9f: {  	s10 =	simm.s32 $0x0;
	s20 =	sshll.u32 s8, $0x1;
	s8 =	sadd.s32 s21, s6  }
0xa0: {  	[timem:s10], [sflag:s22] =	dma.local [hbm:s8], s20  }
0xa1: {  	_ =	swait.ge [sflag:s22], s20  }
0xa2: {  	s7 =	ssub.s32 $0x0, s20;
	[sflag:s22] =	ssyncset.done $0x0  }
0xa3: {  	[sflag:s22] =	ssyncadd.s32 s7;
	_ =	sdelay $0x1  }
0xa4: {  	s23 =	simm.s32 $0x1B8B  }
0xa5: {  	_ =	swait.ge [sflag:s23], $0x1  }
0xa6: {  	[sflag:s23] =	ssyncset.done $0x0  }
0xa7: {  	s25 =	simm.s32 $0x1B8E;
	s24 =	sld [smem:$0x3FFE];
	[sflag:s23] =	ssyncadd.s32 $0xFFFFFFFF  }
0xa8: {  	s26 =	simm.s32 $execute0_lowered;
	[smem:$0x3FD2] =	sst s25  }
0xa9: {  	s8 =	sshll.u32 s26, $0x1;
	_ =	strace $0x80000046;
	[dreg:$0x1] =	wrdreg $0xFFFFFFFF  }
0xaa: {  	s28 =	simm.s32 $_size_execute0_lowered;
	s6 =	sadd.s32 s6, s8;
	[dreg:$0x0] =	wrdreg $0x0  }
0xab: {  	s8 =	sshll.u32 s28, $0x1;
	[dreg:$0x2] =	wrdreg s6  }
0xac: {  	[dreg:$0x3] =	wrdreg s8  }
0xad: {  	[dreg:$0x4] =	wrdreg $0xC0  }
0xae: {  	_ =	task [dreg:s10], $0x5FFFF  }
0xaf: {  	[dreg:$0x1] =	wrdreg $0xFFFFFFFF  }
0xb0: {  	[dreg:$0x0] =	wrdreg $0x60  }
0xb1: {  	[dreg:$0x2] =	wrdreg s2  }
0xb2: {  	[dreg:$0x3] =	wrdreg s18  }
0xb3: {  	[dreg:$0x4] =	wrdreg s24  }
0xb4: {  	[dreg:$0x5] =	wrdreg s4  }
0xb5: {  	[dreg:$0x6] =	wrdreg s5  }
0xb6: {  	[dreg:$0x7] =	wrdreg $0x9  }
0xb7: {  	_ =	task.clear_ibuf [dreg:s10], $0x8FFFF;
	_ =	strace $0x90000046  }
0xb8: {  	s29 =	simm.s32 $0x9;
	_ =	strace $0x80000048  }
0xb9: {  	_ =	swait.ge [sflag:s29], $0x1  }
0xba: {  	[sflag:s29] =	ssyncadd.s32 $0xFFFFFFFF  }
0xbb: {  	_ =	strace $0x90000048  }
0xbc: {  	_ =	sfence  }
0xbd: {  	s30 =	sld [smem:$0x0];
	_ =	sdelay $0x2  }
0xbe: {  	s31 =	sshll.u32 s1, $0xD;
	s1 =	sshrl.u32 s1, $0x2  }
0xbf: {  	s3 =	sand.u32 $0x4000, s31;
	s1 =	sadd.s32 s1, s30  }
0xc0: {  	s0 =	sor.u32 s3, s0;
	s1 =	sshll.u32 s1, $0x11  }
0xc1: {  	s0 =	sor.u32 s1, s0  }
0xc2: {  	s0 =	sadd.s32 $0x8F2B, s0  }
0xc3: {  	[sflag:s0] =	ssyncadd.remote.s32 $0x1  }
0xc4: {  	_ =	sfence.sel $0xFFFF  }
0xc5: {  	[dreg:$0x0] =	wrdreg $0xFFFFFFFF;
	(pc) =	sbr.abs _section_cstart, $3  }
0xc6: {  	[dreg:$0x1] =	wrdreg $0xFFFFFFFF  }
0xc7: {  	_ =	task.clear_ibuf [dreg:s10], $0x2FFFF;
	_ =	strace $0x9FFFFFFF  }
0xc8: {  	(tm) =	ssettm $0x7FFFFFFF  }
0xc9: {  	_ =	shalt  }
tec
execute0_lowered:
.L_overlay_start_1:
0x0: {  	(tag) =	ssettag $0x1  }
0x1: {  	s6 =	rddreg [dreg:$0x0]  }
0x2: {  	s5 =	rddreg [dreg:$0x1]  }
0x3: {  	s3 =	rddreg [dreg:$0x2]  }
0x4: {  	s1 =	rddreg [dreg:$0x3]  }
0x5: {  	s7 =	rddreg [dreg:$0x4]  }
0x6: {  	s0 =	rddreg [dreg:$0x5];
	s2 =	simm.s32 $0x0  }
0x7: {  	s21 =	simm.s32 $0x5200;
	[smem:$0x7FF] =	sst s2  }
0x8: {  	s22 =	simm.s32 $0x6200;
	_ =	strace $0x80000047;
	[dreg:$0x6] =	wrdreg s21  }
0x9: {  	s23 =	simm.s32 $0x7200;
	[dreg:$0x7] =	wrdreg s22  }
0xa: {  	s4 =	srdreg.scid;
	s24 =	simm.s32 $0x8200;
	[dreg:$0x8] =	wrdreg s23  }
0xb: {  	s25 =	simm.s32 $0x9200;
	s26 =	simm.s32 $0xA200;
	[dreg:$0x9] =	wrdreg s24  }
0xc: {  	s28 =	simm.s32 $0xB200;
	s29 =	simm.s32 $0xC200;
	[dreg:$0xa] =	wrdreg s25  }
0xd: {  	v0 =	vlaneseq.u32;
	s30 =	simm.s32 $0xD200;
	s31 =	simm.s32 $0xE200;
	[dreg:$0xb] =	wrdreg s26  }
0xe: {  	s12 =	simm.s32 $0xF200;
	s13 =	simm.s32 $0x10200;
	v0 =	vmul.u32 $0x1000, v0;
	[dreg:$0xc] =	wrdreg s28  }
0xf: {  	s14 =	simm.s32 $0x11200;
	s15 =	simm.s32 $0x12200;
	[dreg:$0xd] =	wrdreg s29  }
0x10: {  	v1 =	vimm.s32 $0x0;
	s17 =	simm.s32 $0x13200;
	s16 =	simm.s32 $0x4200;
	[dreg:$0xe] =	wrdreg s30;
	v2 =	vor.u32 $0x80, v0  }
0x11: {  	s18 =	simm.s32 $0x14200;
	s8 =	sand.u32 $0x1, s4;
	[dreg:$0xf] =	wrdreg s31;
	v3 =	vor.u32 $0x100, v0;
	v16 =	vor.u32 $0x180, v0;
	v5 =	vor.u32 $0x200, v0  }
0x12: {  	s4 =	sadd.s32 $0x400, s3;
	s3 =	stileid.u32;
	[dreg:$0x10] =	wrdreg s12;
	v6 =	vor.u32 $0x280, v0;
	v7 =	vor.u32 $0x300, v0;
	v8 =	vor.u32 $0x380, v0  }
0x13: {  	s9 =	ssub.s32 $0x2, s8;
	s11 =	sshll.u32 s3, $0xA;
	[dreg:$0x11] =	wrdreg s13;
	v9 =	vor.u32 $0x400, v0;
	v10 =	vor.u32 $0x480, v0;
	v11 =	vor.u32 $0x500, v0  }
0x14: {  	s8 =	sshll.u32 s8, $0x9;
	s12 =	simm.s32 $0x200;
	[dreg:$0x12] =	wrdreg s14;
	v15 =	vor.u32 $0x580, v0;
	v13 =	vor.u32 $0x600, v0;
	v14 =	vor.u32 $0x680, v0  }
0x15: {  	s13 =	simm.s32 $0x14400;
	s14 =	simm.s32 $0x400;
	[dreg:$0x13] =	wrdreg s15;
	v57 =	vor.u32 $0x900, v0;
	v22 =	vor.u32 $0x980, v0;
	v23 =	vor.u32 $0xA00, v0  }
0x16: {  	s19 =	simm.s32 $0x0;
	s15 =	simm.s32 $0x7A1400;
	[dreg:$0x14] =	wrdreg s17;
	v24 =	vor.u32 $0xA80, v0;
	v25 =	vor.u32 $0xB00, v0;
	[tilespmem:$0x1FFB0] =	vst v14;
	v14 =	vor.u32 $0x700, v0  }
0x17: {  	s17 =	simm.s32 $0x1;
	s10 =	sshrl.u32 s9, $0x1;
	s8 =	sor.u32 s8, s11;
	v26 =	vor.u32 $0xB80, v0;
	v27 =	vor.u32 $0xC00, v0;
	[tilespmem:$0x1FFC0] =	vst v14;
	v14 =	vor.u32 $0x780, v0  }
0x18: {  	v28 =	vor.u32 $0xC80, v0;
	v29 =	vor.u32 $0xD00, v0;
	s9 =	ssub.s32 s9, s10;
	s11 =	sshrl.u32 s8, $0x3;
	s6 =	sadd.s32 s6, s8;
	[tilespmem:$0x1FFD0] =	vst v14;
	v14 =	vor.u32 $0x800, v0  }
0x19: {  	v30 =	vor.u32 $0xD80, v0;
	v31 =	vor.u32 $0xE00, v0;
	s10 =	simm.s32 $0x1000;
	s5 =	sadd.s32 s5, s11;
	s7 =	sadd.s32 s7, s11;
	[tilespmem:$0x1FFE0] =	vst v14;
	v14 =	vor.u32 $0x880, v0  }
0x1a: {  	v32 =	vor.u32 $0xE80, v0;
	v17 =	vor.u32 $0xF00, v0;
	v19 =	vor.u32 $0xF80, v0;
	s8 =	smax.u32 s9, $0x1;
	s9 =	simm.s32 $0x2;
	s11 =	simm.s32 $0x20000;
	[tilespmem:$0x1FFF0] =	vst v14  }
.LBB2_1:
0x1b: {  	[tilespmem:s2], [sflag:$0x2] =	stream.linear.gather [hbm4b:s5+s2], $0x200, $0x38;
	[tilespmem:$0x15400] =	vst v63  }
0x1c: {  	_ =	swait.ge [sflag:s9], $0x200  }
0x1d: {  	[sflag:s9] =	ssyncset.done $0x0  }
0x1e: {  	[sflag:s9] =	ssyncadd.s32 $0xFFFFFE00  }
0x1f: {  	[tilespmem:s12], [sflag:$0x2] =	stream.strided.gather [hbm4b:s6+s10], $0x4000, s11, s10, $0x38;
	[tilespmem:$0x15400] =	vst v63  }
0x20: {  	_ =	swait.ge [sflag:s9], $0x4000  }
0x21: {  	[sflag:s9] =	ssyncset.done $0x0  }
0x22: {  	[sflag:s9] =	ssyncadd.s32 $0xFFFFC000  }
0x23: {  	[tilespmem:s13], [sflag:$0x2] =	stream.linear.gather [hbm4b:s4+s2], $0x1000, $0x38;
	[tilespmem:$0x15400] =	vst v63  }
0x24: {  	_ =	swait.ge [sflag:s9], $0x1000  }
0x25: {  	s20 =	simm.s32 $0x14200;
	s21 =	simm.s32 $0x0;
	[sflag:s9] =	ssyncset.done $0x0;
	v20 =	vld [tilespmem:$0x1FFE0]  }
0x26: {  	s22 =	simm.s32 $0x0;
	s23 =	simm.s32 $0x0;
	v21 =	vld [tilespmem:$0x1FFF0];
	[sflag:s9] =	ssyncadd.s32 $0xFFFFF000  }
.LBB2_2:
0x27: {  	v34 =	vld [tilespmem:s21+$0x0];
	_ =	sdelay $0x4  }
0x28: {  	v35 =	vshra.s32 v34, $0x1F;
	v33 =	vand.u32 $0x7F, v34  }
0x29: {  	vm0 =	vlt.s32 v34, $0x1;
	v35 =	vshrl.u32 v35, $0x19;
	vm1 =	vne.s32 v33, $0x0  }
0x2a: {  	v35 =	vadd.s32 v35, v34;
	vm0 =	vmand vm0, vm1  }
0x2b: {  	v35 =	vshrl.u32 v35, $0x7;
	v36 =	vsel vm0, $0xFFFFFFFF, v1  }
0x2c: {  	v35 =	vadd.s32 v36, v35  }
0x2d: {  	v35 =	vshll.u32 v35, $0x7  }
0x2e: {  	(v2sf) =	vpush v35, $0x0;
	_ =	sdelay $0x1  }
0x2f: {  	(v2sf) =	vpush v35, $0x1;
	_ =	sdelay $0x2  }
0x30: {  	(v2sf) =	vpush v35, $0x2;
	_ =	sdelay $0x2  }
0x31: {  	(v2sf) =	vpush v35, $0x3;
	_ =	sdelay $0x6  }
0x32: {  	s24 =	spop (v2sf);
	(v2sf) =	vpush v35, $0x4;
	_ =	sdelay $0x1  }
0x33: {  	s24 =	sand.u32 $0x1FFFFF80, s24;
	s29 =	spop (v2sf);
	(v2sf) =	vpush v35, $0x5  }
0x34: {  	s24 =	sadd.s32 s1, s24  }
0x35: {  	[tilespmem:s16], [sflag:$0x1] =	stream.strided.gather [hbm4b:s24+s14], $0x1000, s15, s14, $0x38;
	[tilespmem:$0x15400] =	vst v63  }
0x36: {  	s30 =	spop (v2sf);
	(v2sf) =	vpush v35, $0x6;
	s24 =	sand.u32 $0x1FFFFF80, s29  }
0x37: {  	s25 =	rddreg [dreg:$0x6];
	s24 =	sadd.s32 s1, s24  }
0x38: {  	[tilespmem:s25], [sflag:$0x1] =	stream.strided.gather [hbm4b:s24+s14], $0x1000, s15, s14, $0x38;
	[tilespmem:$0x15400] =	vst v63  }
0x39: {  	s25 =	spop (v2sf);
	(v2sf) =	vpush v35, $0x7;
	_ =	sdelay $0x5  }
0x3a: {  	s24 =	sand.u32 $0x1FFFFF80, s30  }
0x3b: {  	s31 =	rddreg [dreg:$0x7];
	s24 =	sadd.s32 s1, s24;
	s28 =	spop (v2sf);
	(v2sf) =	vpush v35, $0x8  }
0x3c: {  	[tilespmem:s31], [sflag:$0x1] =	stream.strided.gather [hbm4b:s24+s14], $0x1000, s15, s14, $0x38;
	[tilespmem:$0x15400] =	vst v63  }
0x3d: {  	s24 =	sand.u32 $0x1FFFFF80, s25;
	s30 =	spop (v2sf);
	(v2sf) =	vpush v35, $0x9  }
0x3e: {  	s26 =	rddreg [dreg:$0x8];
	s24 =	sadd.s32 s1, s24  }
0x3f: {  	[tilespmem:s26], [sflag:$0x1] =	stream.strided.gather [hbm4b:s24+s14], $0x1000, s15, s14, $0x38;
	[tilespmem:$0x15400] =	vst v63  }
0x40: {  	s24 =	sand.u32 $0x1FFFFF80, s28;
	s25 =	spop (v2sf);
	(v2sf) =	vpush v35, $0xA  }
0x41: {  	s29 =	rddreg [dreg:$0x9];
	s24 =	sadd.s32 s1, s24  }
0x42: {  	[tilespmem:s29], [sflag:$0x1] =	stream.strided.gather [hbm4b:s24+s14], $0x1000, s15, s14, $0x38;
	[tilespmem:$0x15400] =	vst v63  }
0x43: {  	s24 =	sand.u32 $0x1FFFFF80, s30;
	s28 =	spop (v2sf);
	(v2sf) =	vpush v35, $0xB  }
0x44: {  	s31 =	rddreg [dreg:$0xa];
	s24 =	sadd.s32 s1, s24  }
0x45: {  	[tilespmem:s31], [sflag:$0x1] =	stream.strided.gather [hbm4b:s24+s14], $0x1000, s15, s14, $0x38;
	[tilespmem:$0x15400] =	vst v63  }
0x46: {  	s24 =	sand.u32 $0x1FFFFF80, s25  }
0x47: {  	s26 =	rddreg [dreg:$0xb];
	s24 =	sadd.s32 s1, s24  }
0x48: {  	[tilespmem:s26], [sflag:$0x1] =	stream.strided.gather [hbm4b:s24+s14], $0x1000, s15, s14, $0x38;
	[tilespmem:$0x15400] =	vst v63  }
0x49: {  	s24 =	sand.u32 $0x1FFFFF80, s28  }
0x4a: {  	s29 =	rddreg [dreg:$0xc];
	s24 =	sadd.s32 s1, s24;
	s30 =	spop (v2sf);
	(v2sf) =	vpush v35, $0xC  }
0x4b: {  	[tilespmem:s29], [sflag:$0x1] =	stream.strided.gather [hbm4b:s24+s14], $0x1000, s15, s14, $0x38;
	[tilespmem:$0x15400] =	vst v63  }
0x4c: {  	s24 =	sand.u32 $0x1FFFFF80, s30;
	s25 =	spop (v2sf);
	(v2sf) =	vpush v35, $0xD  }
0x4d: {  	s31 =	rddreg [dreg:$0xd];
	s24 =	sadd.s32 s1, s24  }
0x4e: {  	[tilespmem:s31], [sflag:$0x1] =	stream.strided.gather [hbm4b:s24+s14], $0x1000, s15, s14, $0x38;
	[tilespmem:$0x15400] =	vst v63  }
0x4f: {  	s28 =	spop (v2sf);
	(v2sf) =	vpush v35, $0xE;
	s24 =	sand.u32 $0x1FFFFF80, s25  }
0x50: {  	s26 =	rddreg [dreg:$0xe];
	s24 =	sadd.s32 s1, s24  }
0x51: {  	[tilespmem:s26], [sflag:$0x1] =	stream.strided.gather [hbm4b:s24+s14], $0x1000, s15, s14, $0x38;
	[tilespmem:$0x15400] =	vst v63  }
0x52: {  	s30 =	spop (v2sf);
	(v2sf) =	vpush v35, $0xF  }
0x53: {  	s24 =	sand.u32 $0x1FFFFF80, s28  }
0x54: {  	s29 =	rddreg [dreg:$0xf];
	s24 =	sadd.s32 s1, s24  }
0x55: {  	[tilespmem:s29], [sflag:$0x1] =	stream.strided.gather [hbm4b:s24+s14], $0x1000, s15, s14, $0x38;
	[tilespmem:$0x15400] =	vst v63  }
0x56: {  	s24 =	sand.u32 $0x1FFFFF80, s30  }
0x57: {  	s31 =	rddreg [dreg:$0x10];
	s24 =	sadd.s32 s1, s24  }
0x58: {  	[tilespmem:s31], [sflag:$0x1] =	stream.strided.gather [hbm4b:s24+s14], $0x1000, s15, s14, $0x38;
	[tilespmem:$0x15400] =	vst v63  }
0x59: {  	s25 =	spop (v2sf)  }
0x5a: {  	s24 =	sand.u32 $0x1FFFFF80, s25  }
0x5b: {  	s26 =	rddreg [dreg:$0x11];
	s28 =	spop (v2sf);
	s24 =	sadd.s32 s1, s24  }
0x5c: {  	[tilespmem:s26], [sflag:$0x1] =	stream.strided.gather [hbm4b:s24+s14], $0x1000, s15, s14, $0x38;
	[tilespmem:$0x15400] =	vst v63  }
0x5d: {  	s24 =	sand.u32 $0x1FFFFF80, s28  }
0x5e: {  	s29 =	rddreg [dreg:$0x12];
	s30 =	spop (v2sf);
	s24 =	sadd.s32 s1, s24  }
0x5f: {  	[tilespmem:s29], [sflag:$0x1] =	stream.strided.gather [hbm4b:s24+s14], $0x1000, s15, s14, $0x38;
	[tilespmem:$0x15400] =	vst v63  }
0x60: {  	s24 =	sand.u32 $0x1FFFFF80, s30  }
0x61: {  	s31 =	rddreg [dreg:$0x13];
	s26 =	spop (v2sf);
	s24 =	sadd.s32 s1, s24  }
0x62: {  	[tilespmem:s31], [sflag:$0x1] =	stream.strided.gather [hbm4b:s24+s14], $0x1000, s15, s14, $0x38;
	[tilespmem:$0x15400] =	vst v63  }
0x63: {  	s24 =	sand.u32 $0x1FFFFF80, s26  }
0x64: {  	s28 =	rddreg [dreg:$0x14];
	s24 =	sadd.s32 s1, s24  }
0x65: {  	[tilespmem:s28], [sflag:$0x1] =	stream.strided.gather [hbm4b:s24+s14], $0x1000, s15, s14, $0x38;
	[tilespmem:$0x15400] =	vst v63  }
0x66: {  	_ =	swait.ge [sflag:s17], $0x1000  }
0x67: {  	[sflag:s17] =	ssyncset.done $0x0  }
0x68: {  	[sflag:s17] =	ssyncadd.s32 $0xFFFFF000  }
0x69: {  	_ =	swait.ge [sflag:s17], $0x1000  }
0x6a: {  	[sflag:s17] =	ssyncset.done $0x0  }
0x6b: {  	[sflag:s17] =	ssyncadd.s32 $0xFFFFF000  }
0x6c: {  	_ =	swait.ge [sflag:s17], $0x1000  }
0x6d: {  	[sflag:s17] =	ssyncset.done $0x0  }
0x6e: {  	[sflag:s17] =	ssyncadd.s32 $0xFFFFF000  }
0x6f: {  	_ =	swait.ge [sflag:s17], $0x1000  }
0x70: {  	[sflag:s17] =	ssyncset.done $0x0  }
0x71: {  	[sflag:s17] =	ssyncadd.s32 $0xFFFFF000  }
0x72: {  	_ =	swait.ge [sflag:s17], $0x1000  }
0x73: {  	[sflag:s17] =	ssyncset.done $0x0  }
0x74: {  	[sflag:s17] =	ssyncadd.s32 $0xFFFFF000  }
0x75: {  	_ =	swait.ge [sflag:s17], $0x1000  }
0x76: {  	[sflag:s17] =	ssyncset.done $0x0  }
0x77: {  	[sflag:s17] =	ssyncadd.s32 $0xFFFFF000  }
0x78: {  	_ =	swait.ge [sflag:s17], $0x1000  }
0x79: {  	[sflag:s17] =	ssyncset.done $0x0  }
0x7a: {  	[sflag:s17] =	ssyncadd.s32 $0xFFFFF000  }
0x7b: {  	_ =	swait.ge [sflag:s17], $0x1000  }
0x7c: {  	[sflag:s17] =	ssyncset.done $0x0  }
0x7d: {  	[sflag:s17] =	ssyncadd.s32 $0xFFFFF000  }
0x7e: {  	_ =	swait.ge [sflag:s17], $0x1000  }
0x7f: {  	[sflag:s17] =	ssyncset.done $0x0  }
0x80: {  	[sflag:s17] =	ssyncadd.s32 $0xFFFFF000  }
0x81: {  	_ =	swait.ge [sflag:s17], $0x1000  }
0x82: {  	[sflag:s17] =	ssyncset.done $0x0  }
0x83: {  	[sflag:s17] =	ssyncadd.s32 $0xFFFFF000  }
0x84: {  	_ =	swait.ge [sflag:s17], $0x1000  }
0x85: {  	[sflag:s17] =	ssyncset.done $0x0  }
0x86: {  	[sflag:s17] =	ssyncadd.s32 $0xFFFFF000  }
0x87: {  	_ =	swait.ge [sflag:s17], $0x1000  }
0x88: {  	[sflag:s17] =	ssyncset.done $0x0  }
0x89: {  	[sflag:s17] =	ssyncadd.s32 $0xFFFFF000  }
0x8a: {  	_ =	swait.ge [sflag:s17], $0x1000  }
0x8b: {  	[sflag:s17] =	ssyncset.done $0x0  }
0x8c: {  	[sflag:s17] =	ssyncadd.s32 $0xFFFFF000  }
0x8d: {  	_ =	swait.ge [sflag:s17], $0x1000  }
0x8e: {  	v34 =	vsub.s32 v34, v35;
	[sflag:s17] =	ssyncset.done $0x0  }
0x8f: {  	v34 =	vand.u32 $0xFFFFFF80, v34;
	[sflag:s17] =	ssyncadd.s32 $0xFFFFF000  }
0x90: {  	v33 =	vor.u32 v33, v34;
	_ =	swait.ge [sflag:s17], $0x1000  }
0x91: {  	v34 =	vadd.s32 v0, v33;
	[sflag:s17] =	ssyncset.done $0x0  }
0x92: {  	[sflag:s17] =	ssyncadd.s32 $0xFFFFF000  }
0x93: {  	_ =	swait.ge [sflag:s17], $0x1000  }
0x94: {  	v49 =	vadd.s32 v2, v33;
	[sflag:s17] =	ssyncset.done $0x0  }
0x95: {  	s29 =	sand.u32 $0x70, s23;
	s30 =	sand.u32 $0xC00, s22;
	[sflag:s17] =	ssyncadd.s32 $0xFFFFF000  }
0x96: {  	s24 =	sor.u32 s29, s30;
	v34 =	vld.idx.msk [tilespmem:v34+s16+$0x0], $0xffff  }
0x97: {  	v37 =	vadd.s32 v3, v33;
	v36 =	vld [tilespmem:s24+$0x200]  }
0x98: {  	v38 =	vld [tilespmem:$0x14400]  }
0x99: {  	v35 =	vld.idx.msk [tilespmem:v49+s16+$0x0], $0xffff  }
0x9a: {  	v40 =	vadd.s32 v16, v33;
	v39 =	vld [tilespmem:s24+$0x280]  }
0x9b: {  	v41 =	vld [tilespmem:$0x14480]  }
0x9c: {  	v37 =	vld.idx.msk [tilespmem:v37+s16+$0x0], $0xffff  }
0x9d: {  	v43 =	vadd.s32 v5, v33;
	v42 =	vld [tilespmem:s24+$0x300]  }
0x9e: {  	v44 =	vld [tilespmem:$0x14500]  }
0x9f: {  	v40 =	vld.idx.msk [tilespmem:v40+s16+$0x0], $0xffff  }
0xa0: {  	v46 =	vadd.s32 v6, v33;
	v45 =	vld [tilespmem:s24+$0x380]  }
0xa1: {  	v47 =	vld [tilespmem:$0x14580]  }
0xa2: {  	v43 =	vld.idx.msk [tilespmem:v43+s16+$0x0], $0xffff  }
0xa3: {  	v48 =	vld [tilespmem:s24+$0x400]  }
0xa4: {  	v50 =	vld [tilespmem:$0x14600]  }
0xa5: {  	v52 =	vadd.s32 v8, v33;
	v46 =	vld.idx.msk [tilespmem:v46+s16+$0x0], $0xffff  }
0xa6: {  	v51 =	vld [tilespmem:s24+$0x480]  }
0xa7: {  	v53 =	vld [tilespmem:$0x14680]  }
0xa8: {  	v55 =	vadd.s32 v9, v33;
	v54 =	vld [tilespmem:s24+$0x500]  }
0xa9: {  	v18 =	vmovc v17;
	v17 =	vmov v32;
	v32 =	vmov v31;
	v31 =	vmov v30;
	s31 =	sor.u32 s22, s23;
	v56 =	vld [tilespmem:$0x14700]  }
0xaa: {  	v30 =	vmovc v29;
	v29 =	vmovc v28;
	v28 =	vmov v27;
	v27 =	vmov v26;
	v26 =	vmov v25;
	s25 =	sor.u32 $0x380, s31;
	v52 =	vld.idx.msk [tilespmem:v52+s16+$0x0], $0xffff  }
0xab: {  	v25 =	vmovc v24;
	v24 =	vmovc v23;
	v23 =	vmov v22;
	v22 =	vmov v57;
	v58 =	vadd.s32 v10, v33;
	v57 =	vld [tilespmem:s25+$0x200]  }
0xac: {  	v59 =	vld [tilespmem:$0x14780]  }
0xad: {  	v55 =	vld.idx.msk [tilespmem:v55+s16+$0x0], $0xffff  }
0xae: {  	v61 =	vadd.s32 v11, v33;
	v60 =	vld [tilespmem:s24+$0x1200]  }
0xaf: {  	v62 =	vld [tilespmem:$0x14800]  }
0xb0: {  	v1 =	vadd.s32 v15, v33;
	v58 =	vld.idx.msk [tilespmem:v58+s16+$0x0], $0xffff  }
0xb1: {  	v12 =	vmovc v9;
	v9 =	vmovc v6;
	v6 =	vmov v0;
	v0 =	vmov v3;
	v3 =	vadd.s32 v13, v33;
	v63 =	vld [tilespmem:s24+$0x1280]  }
0xb2: {  	v14 =	vmovc v11;
	v11 =	vmovc v8;
	v8 =	vmov v5;
	v5 =	vmov v2;
	v49 =	vadd.s32 v7, v33;
	v2 =	vld [tilespmem:$0x14880]  }
0xb3: {  	v61 =	vld.idx.msk [tilespmem:v61+s16+$0x0], $0xffff  }
0xb4: {  	v4 =	vld [tilespmem:$0x14900]  }
0xb5: {  	v1 =	vld.idx.msk [tilespmem:v1+s16+$0x0], $0xffff  }
0xb6: {  	v3 =	vld.idx.msk [tilespmem:v3+s16+$0x0], $0xffff  }
0xb7: {  	v49 =	vld.idx.msk [tilespmem:v49+s16+$0x0], $0xffff  }
0xb8: {  	v34 =	vadd.f32 v38, v34;
	v38 =	vld [tilespmem:s24+$0x1300]  }
0xb9: {  	v35 =	vadd.f32 v41, v35;
	v41 =	vld [tilespmem:$0x1FFB0]  }
0xba: {  	v37 =	vadd.f32 v44, v37;
	v44 =	vld [tilespmem:$0x14A00]  }
0xbb: {  	v40 =	vadd.f32 v47, v40;
	v47 =	vld [tilespmem:$0x14A80]  }
0xbc: {  	v34 =	vmul.f32 v34, v36;
	v35 =	vmul.f32 v35, v39;
	v39 =	vld [tilespmem:$0x14980]  }
0xbd: {  	v53 =	vadd.f32 v53, v46;
	v46 =	vld [tilespmem:s24+$0x1500];
	v4 =	vadd.f32 v4, v61  }
0xbe: {  	v36 =	vld [tilespmem:s24+$0x1380];
	v34 =	vadd.f32 $0.0e+00, v34  }
0xbf: {  	v41 =	vadd.s32 v41, v33;
	v4 =	vmul.f32 v4, v38;
	v38 =	vld [tilespmem:s24+$0x3200]  }
0xc0: {  	v34 =	vadd.f32 v35, v34;
	v35 =	vmul.f32 v37, v42;
	v37 =	vld [tilespmem:s24+$0x1400]  }
0xc1: {  	v42 =	vld [tilespmem:$0x1FFC0];
	v1 =	vadd.f32 v39, v1  }
0xc2: {  	v39 =	vld [tilespmem:$0x14D00]  }
0xc3: {  	v1 =	vmul.f32 v1, v36;
	v36 =	vld [tilespmem:s24+$0x2380]  }
0xc4: {  	v40 =	vmul.f32 v40, v45;
	v34 =	vadd.f32 v35, v34;
	v35 =	vld.idx.msk [tilespmem:v41+s16+$0x0], $0xffff;
	v41 =	vadd.f32 v50, v43  }
0xc5: {  	v43 =	vld [tilespmem:s24+$0x1480]  }
0xc6: {  	v50 =	vld [tilespmem:$0x1FFD0];
	v34 =	vadd.f32 v40, v34;
	v40 =	vmul.f32 v41, v48  }
0xc7: {  	v42 =	vadd.s32 v42, v33;
	v41 =	vld [tilespmem:s24+$0x1580]  }
0xc8: {  	v34 =	vadd.f32 v40, v34;
	v40 =	vmul.f32 v53, v51;
	v53 =	vadd.f32 v56, v49;
	v49 =	vld [tilespmem:$0x14B00]  }
0xc9: {  	v48 =	vadd.s32 v20, v33;
	v56 =	vadd.f32 v59, v52;
	v52 =	vld [tilespmem:$0x14B80]  }
0xca: {  	v59 =	vadd.f32 v62, v55;
	v55 =	vld [tilespmem:$0x14C00]  }
0xcb: {  	v51 =	vld [tilespmem:s24+$0x2280];
	v45 =	vadd.s32 v50, v33  }
0xcc: {  	v50 =	vadd.s32 v21, v33;
	v42 =	vld.idx.msk [tilespmem:v42+s16+$0x0], $0xffff;
	v34 =	vadd.f32 v40, v34;
	v40 =	vmul.f32 v53, v54  }
0xcd: {  	v53 =	vld [tilespmem:s24+$0x2200]  }
0xce: {  	v34 =	vadd.f32 v40, v34;
	v40 =	vld.idx.msk [tilespmem:v48+s16+$0x0], $0xffff;
	v48 =	vmul.f32 v56, v57  }
0xcf: {  	v2 =	vadd.f32 v2, v58;
	v57 =	vmov v22;
	v56 =	vld [tilespmem:$0x14D80]  }
0xd0: {  	v60 =	vmul.f32 v59, v60;
	v54 =	vadd.s32 v57, v33;
	v45 =	vld.idx.msk [tilespmem:v45+s16+$0x0], $0xffff;
	v34 =	vadd.f32 v48, v34  }
0xd1: {  	v50 =	vld.idx.msk [tilespmem:v50+s16+$0x0], $0xffff  }
0xd2: {  	v2 =	vmul.f32 v2, v63;
	v22 =	vmov v23;
	v48 =	vld [tilespmem:s24+$0x2580];
	v34 =	vadd.f32 v60, v34  }
0xd3: {  	v23 =	vmov v24;
	v24 =	vmov v25;
	v62 =	vadd.s32 v22, v33;
	v60 =	vld [tilespmem:$0x14C80]  }
0xd4: {  	v25 =	vmovc v26;
	v26 =	vmovc v27;
	v27 =	vmov v28;
	v40 =	vadd.f32 v55, v40;
	v55 =	vld [tilespmem:$0x15080];
	v2 =	vadd.f32 v2, v34  }
0xd5: {  	v58 =	vadd.s32 v27, v33;
	v54 =	vld.idx.msk [tilespmem:v54+s16+$0x0], $0xffff  }
0xd6: {  	v3 =	vadd.f32 v44, v3;
	v61 =	vadd.s32 v23, v33;
	v34 =	vld [tilespmem:s24+$0x2300];
	v2 =	vadd.f32 v4, v2  }
0xd7: {  	v45 =	vadd.f32 v52, v45;
	v59 =	vmul.f32 v40, v53;
	v53 =	vld [tilespmem:$0x15000]  }
0xd8: {  	v4 =	vld.idx.msk [tilespmem:v62+s16+$0x0], $0xffff;
	v1 =	vadd.f32 v1, v2;
	v2 =	vmul.f32 v3, v37;
	v3 =	vadd.f32 v47, v35  }
0xd9: {  	v62 =	vadd.s32 v24, v33;
	v52 =	vmul.f32 v45, v41;
	v41 =	vld [tilespmem:s24+$0x2500]  }
0xda: {  	v45 =	vld.idx.msk [tilespmem:v58+s16+$0x0], $0xffff;
	v1 =	vadd.f32 v2, v1;
	v2 =	vmul.f32 v3, v43;
	v3 =	vadd.f32 v49, v42  }
0xdb: {  	v35 =	vld.idx.msk [tilespmem:v61+s16+$0x0], $0xffff  }
0xdc: {  	v37 =	vld [tilespmem:s24+$0x2400];
	v1 =	vadd.f32 v2, v1;
	v2 =	vmul.f32 v3, v46  }
0xdd: {  	v47 =	vld [tilespmem:$0x14F00]  }
0xde: {  	v63 =	vadd.s32 v25, v33;
	v60 =	vadd.f32 v60, v50;
	v42 =	vld [tilespmem:$0x14E00];
	v1 =	vadd.f32 v2, v1  }
0xdf: {  	v43 =	vld.idx.msk [tilespmem:v62+s16+$0x0], $0xffff  }
0xe0: {  	v49 =	vadd.s32 v26, v33;
	v62 =	vmul.f32 v60, v51;
	v51 =	vld [tilespmem:s24+$0x3400];
	v1 =	vadd.f32 v52, v1  }
0xe1: {  	v3 =	vld [tilespmem:s24+$0x2480]  }
0xe2: {  	v39 =	vadd.f32 v39, v54;
	v46 =	vld [tilespmem:$0x14E80];
	v1 =	vadd.f32 v59, v1  }
0xe3: {  	v2 =	vld.idx.msk [tilespmem:v63+s16+$0x0], $0xffff  }
0xe4: {  	v28 =	vmovc v29;
	v34 =	vmul.f32 v39, v34;
	v4 =	vadd.f32 v56, v4;
	v63 =	vld [tilespmem:$0x14F80];
	v1 =	vadd.f32 v62, v1  }
0xe5: {  	v61 =	vadd.s32 v28, v33;
	v50 =	vadd.f32 v53, v45;
	v44 =	vld.idx.msk [tilespmem:v49+s16+$0x0], $0xffff  }
0xe6: {  	v29 =	vmovc v30;
	v53 =	vld [tilespmem:$0x15200];
	v4 =	vmul.f32 v4, v36;
	v35 =	vadd.f32 v42, v35;
	v1 =	vadd.f32 v34, v1  }
0xe7: {  	v36 =	vld [tilespmem:s24+$0x3280];
	v52 =	vadd.s32 v29, v33;
	v56 =	vadd.f32 v46, v43  }
0xe8: {  	v30 =	vmovc v31;
	v31 =	vmov v32;
	v59 =	vld [tilespmem:s24+$0x3300];
	v1 =	vadd.f32 v4, v1;
	v4 =	vmul.f32 v35, v37  }
0xe9: {  	v32 =	vmovc v17;
	v54 =	vadd.s32 v30, v33;
	v3 =	vmul.f32 v56, v3;
	v2 =	vadd.f32 v47, v2;
	v56 =	vld [tilespmem:$0x15280]  }
0xea: {  	v62 =	vadd.s32 v32, v33;
	v40 =	vadd.f32 v63, v44;
	v63 =	vld [tilespmem:$0x15180];
	v1 =	vadd.f32 v4, v1  }
0xeb: {  	v34 =	vld.idx.msk [tilespmem:v61+s16+$0x0], $0xffff  }
0xec: {  	v60 =	vadd.s32 v31, v33;
	v58 =	vld.idx.msk [tilespmem:v52+s16+$0x0], $0xffff;
	v2 =	vmul.f32 v2, v41;
	v1 =	vadd.f32 v3, v1  }
0xed: {  	v4 =	vld [tilespmem:$0x15100]  }
0xee: {  	v61 =	vld.idx.msk [tilespmem:v54+s16+$0x0], $0xffff;
	v40 =	vmul.f32 v40, v48;
	v1 =	vadd.f32 v2, v1  }
0xef: {  	v52 =	vadd.s32 v18, v33;
	v54 =	vld.idx.msk [tilespmem:v62+s16+$0x0], $0xffff  }
0xf0: {  	v38 =	vmul.f32 v50, v38;
	v34 =	vadd.f32 v55, v34;
	v3 =	vld [tilespmem:s24+$0x3380];
	v1 =	vadd.f32 v40, v1  }
0xf1: {  	v33 =	vadd.s32 v19, v33;
	v2 =	vld.idx.msk [tilespmem:v60+s16+$0x0], $0xffff  }
0xf2: {  	v62 =	vld [tilespmem:$0x15380];
	v34 =	vmul.f32 v34, v36;
	v4 =	vadd.f32 v4, v58;
	v1 =	vadd.f32 v38, v1  }
0xf3: {  	v55 =	vld [tilespmem:s24+$0x3480]  }
0xf4: {  	v58 =	vld.idx.msk [tilespmem:v52+s16+$0x0], $0xffff;
	v4 =	vmul.f32 v4, v59;
	v59 =	vadd.f32 v63, v61;
	v1 =	vadd.f32 v34, v1  }
0xf5: {  	v61 =	vld [tilespmem:$0x15300]  }
0xf6: {  	v60 =	vld [tilespmem:s24+$0x3500];
	v3 =	vmul.f32 v59, v3;
	v2 =	vadd.f32 v53, v2;
	v1 =	vadd.f32 v4, v1  }
0xf7: {  	v4 =	vld.idx.msk [tilespmem:v33+s16+$0x0], $0xffff  }
0xf8: {  	v2 =	vmul.f32 v2, v51;
	v1 =	vadd.f32 v3, v1;
	v3 =	vadd.f32 v56, v54  }
0xf9: {  	v63 =	vld [tilespmem:s24+$0x3580]  }
0xfa: {  	v1 =	vadd.f32 v2, v1;
	v2 =	vmul.f32 v3, v55;
	v3 =	vadd.f32 v61, v58;
	_ =	sdelay $0x1  }
0xfb: {  	v1 =	vadd.f32 v2, v1;
	v2 =	vmul.f32 v3, v60;
	v3 =	vadd.f32 v62, v4  }
0xfc: {  	p0 =	sne.s32 s23, $0x1F0  }
.Ltmp0:
0xfd: {  	v1 =	vadd.f32 v2, v1;
	v2 =	vmul.f32 v3, v63;
	(pc) =	sbr.rel @p0 .LBB2_2-.Ltmp0, $4  }
0xfe: {  	_ = 	snop  }
0xff: {  	v1 =	vadd.f32 v2, v1  }
0x100: {  	s21 =	sadd.s32 $0x10, s21;
	v17 =	vmovc v18;
	v3 =	vmovc v0;
	v0 =	vmov v6;
	v6 =	vmov v9;
	v9 =	vmov v12  }
0x101: {  	s22 =	sadd.s32 $0x80, s22;
	s23 =	sadd.s32 $0x10, s23;
	v2 =	vmovc v5;
	v5 =	vmovc v8;
	v8 =	vmov v11;
	v11 =	vmov v14;
	[tilespmem:s20+$0x0] =	vst v1;
	v1 =	vimm.s32 $0x0;
	s20 =	sadd.s32 $0x10, s20  }
0x102: {  	s19 =	sadd.s32 $0x1, s19  }
0x103: {  	p0 =	sne.s32 s19, s8  }
.Ltmp1:
0x104: {  	_ = 	snop;
	(pc) =	sbr.rel @p0 .LBB2_1-.Ltmp1, $4  }
0x105: {  	[hbm4b:s7+s2] =	stream.linear.scatter [tilespmem:s18], [sflag:$0x2], $0x200, $0x38;
	[tilespmem:$0x15400] =	vst v63  }
0x106: {  	_ =	swait.ge [sflag:s9], $0x200  }
0x107: {  	[sflag:s9] =	ssyncset.done $0x0  }
0x108: {  	[sflag:s9] =	ssyncadd.s32 $0xFFFFFE00  }
0x109: {  	_ =	sfence.sel $0x180000  }
0x10a: {  	[bflag:$0x0] =	sbarrier.arrive $0xFFFF  }
0x10b: {  	p0 =	sne.s32 s3, $0x0;
	_ =	strace $0x90000047  }
0x10c: {  	s0 =	sadd.s32 @!p0 $0x100000, s0;
	[bflag:$0x2] =	sbarrier.arrive $0xFFFF  }
0x10d: {  	[sflag:s0] =	ssyncadd.tile.s32 @!p0 $0x1;
	_ =	shalt  }
.Lfunc_end2:
_tile_overlayer_lowered:
.L_overlay_start_2:
0x10e: {  	(tag) =	ssettag $0x2  }
0x10f: {  	s0 =	rddreg [dreg:$0x0];
	s2 =	stileid.u32  }
0x110: {  	s1 =	rddreg [dreg:$0x1];
	p0 =	sne.s32 s2, $0x0  }
0x111: {  	s3 =	rddreg [dreg:$0x2];
	[bflag:$0x3] =	sbarrier.arrive $0xFFFF;
	s2 =	simm.s32 @!p0 $0x1C02  }
0x112: {  	[timem:s3], [sflag:s2] =	dma.local @!p0 [hbm:s0], s1  }
0x113: {  	s0 =	simm.s32 @!p0 $0x2  }
0x114: {  	_ =	swait.ge @!p0 [sflag:s0], s1  }
0x115: {  	s1 =	ssub.s32 @!p0 $0x0, s1;
	[sflag:s0] =	ssyncset.done @!p0 $0x0  }
0x116: {  	[sflag:s0] =	ssyncadd.s32 @!p0 s1  }
0x117: {  	[bflag:$0x3] =	sbarrier.arrive $0xFFFF  }
0x118: {  	_ =	shalt  }

</sc_bundles>
